<compile_context>
chip_gen: v7x
topology: tpu7x:2x2x1
jax: 0.10.2.dev20260603
libtpu: 0.0.44.dev20260713+nightly
codegen_flags: <defaults>
</compile_context>

<pallas_src>
import functools

import jax
import jax.numpy as jnp
from jax import lax
from jax.experimental import pallas as pl
from jax.experimental.pallas import tpu as pltpu
from jax.experimental.pallas import tpu_sc as plsc

_D = 64
_SCALE = float(_D) ** 0.5
_NC = 2
_NS = 16
_NW = _NC * _NS
_LANES = 16
_NB = 4


@functools.partial(jax.jit, static_argnums=(2, 3))
def _lookup(x_flat, table, per_w, chunk):
  n_chunks = per_w // chunk
  assert n_chunks % _NB == 0
  mesh = plsc.VectorSubcoreMesh(
      core_axis_name="c", subcore_axis_name="s", num_cores=_NC,
      num_subcores=_NS)

  @functools.partial(
      pl.kernel,
      mesh=mesh,
      out_type=jax.ShapeDtypeStruct((x_flat.shape[0], _D), jnp.float32),
      scratch_types=[
          pltpu.VMEM((per_w,), jnp.int32),
          [pltpu.VMEM((chunk, _D), jnp.float32) for _ in range(_NB)],
          [pltpu.SemaphoreType.DMA for _ in range(_NB)],
          [pltpu.SemaphoreType.DMA for _ in range(_NB)],
      ],
      compiler_params=pltpu.CompilerParams(use_tc_tiling_on_sc=False),
  )
  def body(x_hbm, table_hbm, out_hbm, idx_v, rows, sem_g, sem_s):
    wid = lax.axis_index("s") * _NC + lax.axis_index("c")
    base = wid * per_w
    pltpu.sync_copy(x_hbm.at[pl.ds(base, per_w)], idx_v)

    def gather(c, b):
      return pltpu.make_async_copy(
          table_hbm.at[idx_v.at[pl.ds(c * chunk, chunk)]], rows[b], sem_g[b])

    def scatter(c, b):
      return pltpu.make_async_copy(
          rows[b], out_hbm.at[pl.ds(base + c * chunk, chunk)], sem_s[b])

    for b in range(_NB - 1):
      gather(b, b).start()

    def group_body(go, carry):
      for b in range(_NB):
        c = go * _NB + b
        gather(c, b).wait()

        def scale_body(r, acc):
          for j in range(_D // _LANES):
            sl = pl.ds(j * _LANES, _LANES)
            rows[b][r, sl] = rows[b][r, sl] * _SCALE
          return acc

        lax.fori_loop(0, chunk, scale_body, 0, unroll=4)
        scatter(c, b).start()

        nb = (b + _NB - 1) % _NB
        nc = c + _NB - 1

        @pl.when(nc < n_chunks)
        def _():
          @pl.when(c >= 1)
          def _():
            scatter(c - 1, nb).wait()
          gather(nc, nb).start()

      return carry

    lax.fori_loop(0, n_chunks // _NB, group_body, 0)
    for b in range(_NB):
      scatter(n_chunks - _NB + b, b).wait()

  return body(x_flat, table)


def kernel(x, table):
  b, l = x.shape
  n = b * l
  per_w = n // _NW
  x_flat = jnp.reshape(x, (n,)).astype(jnp.int32)
  out = _lookup(x_flat, table, per_w, 128)
  return jnp.reshape(out, (b, l, _D))

# --- scband reference (transcript-rebuilt; emitter-appended) ---
"""Pipeline reference for scband-scaled-embedding-3272765079881 (READ-ONLY COPY).

The authoritative reference and input builder live on the scoring server;
editing this copy changes nothing except your own understanding.
"""

import jax, jax.numpy as jnp
import numpy as np

N_WORDS = 1000000
D_MODEL = 64
PADDING_IDX = 0
SCALE = float(D_MODEL) ** 0.5


def setup_inputs(seed: int = 0) -> dict:
    key = jax.random.key(seed)
    k_idx, k_tab = jax.random.split(key)
    x = jax.random.randint(k_idx, (4096, 200), 0, N_WORDS, dtype=jnp.int64 if jax.config.jax_enable_x64 else jnp.int32)
    table = jax.random.normal(k_tab, (N_WORDS, D_MODEL), dtype=jnp.float32)
    # padding_idx row initialized to zero, matching nn.Embedding(padding_idx=0)
    table = table.at[PADDING_IDX].set(0.0)
    return {"x": x, "table": table}


def reference(x, table):
    # nn.Embedding with padding_idx: row PADDING_IDX is pinned to zero
    tab = table.at[PADDING_IDX].set(0.0)
    emb = jnp.take(tab, x, axis=0)  # [B, L, D]
    return emb * SCALE

if __name__ == "__main__":
    import jax
    _d = setup_inputs()
    print(jax.jit(kernel)(*tuple(_d.values())))

</pallas_src>

<mosaic_0001>
#map = affine_map<(d0, d1) -> (0)>
#map1 = affine_map<(d0, d1) -> (0, 0)>
module attributes {stable_mosaic.version = 14 : i64} {
  func.func @body(%arg0: i32, %arg1: i32, %arg2: memref<819200xi32, #tpu.memory_space<hbm>>, %arg3: memref<1000000x64xf32, #tpu.memory_space<hbm>>, %arg4: memref<819200x64xf32, #tpu.memory_space<hbm>>, %arg5: memref<25600xi32, #tpu.memory_space<vmem>>, %arg6: memref<128x64xf32, #tpu.memory_space<vmem>>, %arg7: memref<128x64xf32, #tpu.memory_space<vmem>>, %arg8: memref<128x64xf32, #tpu.memory_space<vmem>>, %arg9: memref<128x64xf32, #tpu.memory_space<vmem>>, %arg10: memref<!tpu.dma_semaphore, #tpu.memory_space<semaphore_mem>>, %arg11: memref<!tpu.dma_semaphore, #tpu.memory_space<semaphore_mem>>, %arg12: memref<!tpu.dma_semaphore, #tpu.memory_space<semaphore_mem>>, %arg13: memref<!tpu.dma_semaphore, #tpu.memory_space<semaphore_mem>>, %arg14: memref<!tpu.dma_semaphore, #tpu.memory_space<semaphore_mem>>, %arg15: memref<!tpu.dma_semaphore, #tpu.memory_space<semaphore_mem>>, %arg16: memref<!tpu.dma_semaphore, #tpu.memory_space<semaphore_mem>>, %arg17: memref<!tpu.dma_semaphore, #tpu.memory_space<semaphore_mem>>) attributes {dimension_semantics = [#tpu.dimension_semantics<core_parallel>, #tpu.dimension_semantics<subcore_parallel>], iteration_bounds = array<i64: 2, 16>, scalar_prefetch = 0 : i64, scratch_operands = 13 : i64, tpu.core_type = #tpu.core_type<sc_vector_subcore>, window_params = [{transform_indices = #map}, {transform_indices = #map1}, {transform_indices = #map1}]} {
    %mul3A = arith.constant 2 : i32
    %mul3A_0 = arith.muli %arg1, %mul3A : i32
    %add3A = arith.addi %mul3A_0, %arg0 : i32
    %mul3A_1 = arith.constant 25600 : i32
    %mul3A_2 = arith.muli %add3A, %mul3A_1 : i32
    "tpu.region"() ({
      %run_scoped3A = tpu.sem_alloc : memref<!tpu.dma_semaphore, #tpu.memory_space<semaphore_mem>>
      %dma_start3A_45 = tpu.memref_slice %arg2[%mul3A_2] : memref<819200xi32, #tpu.memory_space<hbm>> -> memref<25600xi32, #tpu.memory_space<hbm>>
      %dma_start3A_46 = tpu.memref_slice %arg2[%mul3A_2] : memref<819200xi32, #tpu.memory_space<hbm>> -> memref<25600xi32, #tpu.memory_space<hbm>>
      tpu.enqueue_dma source(%dma_start3A_46 : memref<25600xi32, #tpu.memory_space<hbm>>) target(%arg5 : memref<25600xi32, #tpu.memory_space<vmem>>) target_semaphore(%run_scoped3A : memref<!tpu.dma_semaphore, #tpu.memory_space<semaphore_mem>>)
      %dma_wait3A_47 = tpu.memref_slice %arg2[%mul3A_2] : memref<819200xi32, #tpu.memory_space<hbm>> -> memref<25600xi32, #tpu.memory_space<hbm>>
      %dma_wait3A_48 = tpu.memref_slice %arg2[%mul3A_2] : memref<819200xi32, #tpu.memory_space<hbm>> -> memref<25600xi32, #tpu.memory_space<hbm>>
      tpu.wait_dma2 semaphore(%run_scoped3A : memref<!tpu.dma_semaphore, #tpu.memory_space<semaphore_mem>>) src(%dma_wait3A_48 : memref<25600xi32, #tpu.memory_space<hbm>>) dst(%arg5 : memref<25600xi32, #tpu.memory_space<vmem>>)
      tpu.yield
    }) : () -> ()
    %dma_start3A = arith.constant 0 : i32
    %dma_start3A_3 = tpu.memref_slice %arg5[%dma_start3A] : memref<25600xi32, #tpu.memory_space<vmem>> -> memref<128xi32, #tpu.memory_space<vmem>>
    %dma_start3A_4 = arith.constant 0 : i32
    %dma_start3A_5 = arith.constant 0 : i32
    %dma_start3A_6 = tpu.memref_slice %arg3[%dma_start3A_4, %dma_start3A_5] : memref<1000000x64xf32, #tpu.memory_space<hbm>> -> memref<1000000x64xf32, #tpu.memory_space<hbm>>
    tpu.enqueue_indirect_dma source(%dma_start3A_6 : memref<1000000x64xf32, #tpu.memory_space<hbm>>) target(%arg6 : memref<128x64xf32, #tpu.memory_space<vmem>>) offsets(%dma_start3A_3 : memref<128xi32, #tpu.memory_space<vmem>>) semaphore(%arg10 : memref<!tpu.dma_semaphore, #tpu.memory_space<semaphore_mem>>)
    %dma_start3A_7 = arith.constant 128 : i32
    %dma_start3A_8 = tpu.memref_slice %arg5[%dma_start3A_7] : memref<25600xi32, #tpu.memory_space<vmem>> -> memref<128xi32, #tpu.memory_space<vmem>>
    %dma_start3A_9 = arith.constant 0 : i32
    %dma_start3A_10 = arith.constant 0 : i32
    %dma_start3A_11 = tpu.memref_slice %arg3[%dma_start3A_9, %dma_start3A_10] : memref<1000000x64xf32, #tpu.memory_space<hbm>> -> memref<1000000x64xf32, #tpu.memory_space<hbm>>
    tpu.enqueue_indirect_dma source(%dma_start3A_11 : memref<1000000x64xf32, #tpu.memory_space<hbm>>) target(%arg7 : memref<128x64xf32, #tpu.memory_space<vmem>>) offsets(%dma_start3A_8 : memref<128xi32, #tpu.memory_space<vmem>>) semaphore(%arg11 : memref<!tpu.dma_semaphore, #tpu.memory_space<semaphore_mem>>)
    %dma_start3A_12 = arith.constant 256 : i32
    %dma_start3A_13 = tpu.memref_slice %arg5[%dma_start3A_12] : memref<25600xi32, #tpu.memory_space<vmem>> -> memref<128xi32, #tpu.memory_space<vmem>>
    %dma_start3A_14 = arith.constant 0 : i32
    %dma_start3A_15 = arith.constant 0 : i32
    %dma_start3A_16 = tpu.memref_slice %arg3[%dma_start3A_14, %dma_start3A_15] : memref<1000000x64xf32, #tpu.memory_space<hbm>> -> memref<1000000x64xf32, #tpu.memory_space<hbm>>
    tpu.enqueue_indirect_dma source(%dma_start3A_16 : memref<1000000x64xf32, #tpu.memory_space<hbm>>) target(%arg8 : memref<128x64xf32, #tpu.memory_space<vmem>>) offsets(%dma_start3A_13 : memref<128xi32, #tpu.memory_space<vmem>>) semaphore(%arg12 : memref<!tpu.dma_semaphore, #tpu.memory_space<semaphore_mem>>)
    %scan3A = arith.constant 0 : i32
    %scan3A_17 = arith.constant 0 : i32
    %scan3A_18 = arith.constant 50 : i32
    %scan3A_19 = arith.addi %scan3A_17, %scan3A_18 : i32
    %scan3A_20 = arith.constant 1 : i32
    scf.for %scan3A_45 = %scan3A_17 to %scan3A_19 step %scan3A_20  : i32 {
      %mul3A_46 = arith.constant 4 : i32
      %mul3A_47 = arith.muli %scan3A_45, %mul3A_46 : i32
      %add3A_48 = arith.constant 0 : i32
      %add3A_49 = arith.addi %mul3A_47, %add3A_48 : i32
      %mul3A_50 = arith.constant 128 : i32
      %mul3A_51 = arith.muli %add3A_49, %mul3A_50 : i32
      %dma_wait3A_52 = tpu.memref_slice %arg5[%mul3A_51] : memref<25600xi32, #tpu.memory_space<vmem>> -> memref<128xi32, #tpu.memory_space<vmem>>
      %dma_wait3A_53 = arith.constant 0 : i32
      %dma_wait3A_54 = arith.constant 0 : i32
      %dma_wait3A_55 = tpu.memref_slice %arg3[%dma_wait3A_53, %dma_wait3A_54] : memref<1000000x64xf32, #tpu.memory_space<hbm>> -> memref<1000000x64xf32, #tpu.memory_space<hbm>>
      tpu.wait_indirect_dma semaphore(%arg10 : memref<!tpu.dma_semaphore, #tpu.memory_space<semaphore_mem>>) src(%dma_wait3A_55 : memref<1000000x64xf32, #tpu.memory_space<hbm>>) dst(%arg6 : memref<128x64xf32, #tpu.memory_space<vmem>>)
      %scan3A_56 = arith.constant 0 : i32
      %scan3A_57 = arith.constant 0 : i32
      %scan3A_58 = arith.constant 128 : i32
      %scan3A_59 = arith.addi %scan3A_57, %scan3A_58 : i32
      %scan3A_60 = arith.constant 4 : i32
      scf.for %scan3A_170 = %scan3A_57 to %scan3A_59 step %scan3A_60  : i32 {
        %get3A = arith.index_cast %scan3A_170 : i32 to index
        %get3A_171 = arith.constant 0 : index
        %get3A_172 = tpu.vector_load %arg6[%get3A, %get3A_171] {strides = array<i32>} : memref<128x64xf32, #tpu.memory_space<vmem>>, vector<1x16xf32>,
        %get3A_173 = vector.shape_cast %get3A_172 : vector<1x16xf32> to vector<16xf32>
        %mul3A_174 = arith.constant 8.000000e+00 : f32
        %mul3A_175 = vector.broadcast %mul3A_174 : f32 to vector<16xf32>
        %mul3A_176 = arith.mulf %get3A_173, %mul3A_175 : vector<16xf32>
        %swap3A = arith.index_cast %scan3A_170 : i32 to index
        %swap3A_177 = arith.constant 0 : index
        %swap3A_178 = tpu.vector_load %arg6[%swap3A, %swap3A_177] {strides = array<i32>} : memref<128x64xf32, #tpu.memory_space<vmem>>, vector<1x16xf32>,
        %swap3A_179 = vector.shape_cast %swap3A_178 : vector<1x16xf32> to vector<16xf32>
        %swap3A_180 = vector.shape_cast %mul3A_176 : vector<16xf32> to vector<1x16xf32>
        tpu.vector_store %arg6[%swap3A, %swap3A_177], %swap3A_180 {strides = array<i32>} : memref<128x64xf32, #tpu.memory_space<vmem>>, vector<1x16xf32>,
        %get3A_181 = arith.index_cast %scan3A_170 : i32 to index
        %get3A_182 = arith.constant 16 : index
        %get3A_183 = tpu.vector_load %arg6[%get3A_181, %get3A_182] {strides = array<i32>} : memref<128x64xf32, #tpu.memory_space<vmem>>, vector<1x16xf32>,
        %get3A_184 = vector.shape_cast %get3A_183 : vector<1x16xf32> to vector<16xf32>
        %mul3A_185 = arith.constant 8.000000e+00 : f32
        %mul3A_186 = vector.broadcast %mul3A_185 : f32 to vector<16xf32>
        %mul3A_187 = arith.mulf %get3A_184, %mul3A_186 : vector<16xf32>
        %swap3A_188 = arith.index_cast %scan3A_170 : i32 to index
        %swap3A_189 = arith.constant 16 : index
        %swap3A_190 = tpu.vector_load %arg6[%swap3A_188, %swap3A_189] {strides = array<i32>} : memref<128x64xf32, #tpu.memory_space<vmem>>, vector<1x16xf32>,
        %swap3A_191 = vector.shape_cast %swap3A_190 : vector<1x16xf32> to vector<16xf32>
        %swap3A_192 = vector.shape_cast %mul3A_187 : vector<16xf32> to vector<1x16xf32>
        tpu.vector_store %arg6[%swap3A_188, %swap3A_189], %swap3A_192 {strides = array<i32>} : memref<128x64xf32, #tpu.memory_space<vmem>>, vector<1x16xf32>,
        %get3A_193 = arith.index_cast %scan3A_170 : i32 to index
        %get3A_194 = arith.constant 32 : index
        %get3A_195 = tpu.vector_load %arg6[%get3A_193, %get3A_194] {strides = array<i32>} : memref<128x64xf32, #tpu.memory_space<vmem>>, vector<1x16xf32>,
        %get3A_196 = vector.shape_cast %get3A_195 : vector<1x16xf32> to vector<16xf32>
        %mul3A_197 = arith.constant 8.000000e+00 : f32
        %mul3A_198 = vector.broadcast %mul3A_197 : f32 to vector<16xf32>
        %mul3A_199 = arith.mulf %get3A_196, %mul3A_198 : vector<16xf32>
        %swap3A_200 = arith.index_cast %scan3A_170 : i32 to index
        %swap3A_201 = arith.constant 32 : index
        %swap3A_202 = tpu.vector_load %arg6[%swap3A_200, %swap3A_201] {strides = array<i32>} : memref<128x64xf32, #tpu.memory_space<vmem>>, vector<1x16xf32>,
        %swap3A_203 = vector.shape_cast %swap3A_202 : vector<1x16xf32> to vector<16xf32>
        %swap3A_204 = vector.shape_cast %mul3A_199 : vector<16xf32> to vector<1x16xf32>
        tpu.vector_store %arg6[%swap3A_200, %swap3A_201], %swap3A_204 {strides = array<i32>} : memref<128x64xf32, #tpu.memory_space<vmem>>, vector<1x16xf32>,
        %get3A_205 = arith.index_cast %scan3A_170 : i32 to index
        %get3A_206 = arith.constant 48 : index
        %get3A_207 = tpu.vector_load %arg6[%get3A_205, %get3A_206] {strides = array<i32>} : memref<128x64xf32, #tpu.memory_space<vmem>>, vector<1x16xf32>,
        %get3A_208 = vector.shape_cast %get3A_207 : vector<1x16xf32> to vector<16xf32>
        %mul3A_209 = arith.constant 8.000000e+00 : f32
        %mul3A_210 = vector.broadcast %mul3A_209 : f32 to vector<16xf32>
        %mul3A_211 = arith.mulf %get3A_208, %mul3A_210 : vector<16xf32>
        %swap3A_212 = arith.index_cast %scan3A_170 : i32 to index
        %swap3A_213 = arith.constant 48 : index
        %swap3A_214 = tpu.vector_load %arg6[%swap3A_212, %swap3A_213] {strides = array<i32>} : memref<128x64xf32, #tpu.memory_space<vmem>>, vector<1x16xf32>,
        %swap3A_215 = vector.shape_cast %swap3A_214 : vector<1x16xf32> to vector<16xf32>
        %swap3A_216 = vector.shape_cast %mul3A_211 : vector<16xf32> to vector<1x16xf32>
        tpu.vector_store %arg6[%swap3A_212, %swap3A_213], %swap3A_216 {strides = array<i32>} : memref<128x64xf32, #tpu.memory_space<vmem>>, vector<1x16xf32>,
        %scan3A_217 = arith.constant 1 : i32
        %scan3A_218 = arith.addi %scan3A_170, %scan3A_217 : i32
        %get3A_219 = arith.index_cast %scan3A_218 : i32 to index
        %get3A_220 = arith.constant 0 : index
        %get3A_221 = tpu.vector_load %arg6[%get3A_219, %get3A_220] {strides = array<i32>} : memref<128x64xf32, #tpu.memory_space<vmem>>, vector<1x16xf32>,
        %get3A_222 = vector.shape_cast %get3A_221 : vector<1x16xf32> to vector<16xf32>
        %mul3A_223 = arith.constant 8.000000e+00 : f32
        %mul3A_224 = vector.broadcast %mul3A_223 : f32 to vector<16xf32>
        %mul3A_225 = arith.mulf %get3A_222, %mul3A_224 : vector<16xf32>
        %swap3A_226 = arith.index_cast %scan3A_218 : i32 to index
        %swap3A_227 = arith.constant 0 : index
        %swap3A_228 = tpu.vector_load %arg6[%swap3A_226, %swap3A_227] {strides = array<i32>} : memref<128x64xf32, #tpu.memory_space<vmem>>, vector<1x16xf32>,
        %swap3A_229 = vector.shape_cast %swap3A_228 : vector<1x16xf32> to vector<16xf32>
        %swap3A_230 = vector.shape_cast %mul3A_225 : vector<16xf32> to vector<1x16xf32>
        tpu.vector_store %arg6[%swap3A_226, %swap3A_227], %swap3A_230 {strides = array<i32>} : memref<128x64xf32, #tpu.memory_space<vmem>>, vector<1x16xf32>,
        %get3A_231 = arith.index_cast %scan3A_218 : i32 to index
        %get3A_232 = arith.constant 16 : index
        %get3A_233 = tpu.vector_load %arg6[%get3A_231, %get3A_232] {strides = array<i32>} : memref<128x64xf32, #tpu.memory_space<vmem>>, vector<1x16xf32>,
        %get3A_234 = vector.shape_cast %get3A_233 : vector<1x16xf32> to vector<16xf32>
        %mul3A_235 = arith.constant 8.000000e+00 : f32
        %mul3A_236 = vector.broadcast %mul3A_235 : f32 to vector<16xf32>
        %mul3A_237 = arith.mulf %get3A_234, %mul3A_236 : vector<16xf32>
        %swap3A_238 = arith.index_cast %scan3A_218 : i32 to index
        %swap3A_239 = arith.constant 16 : index
        %swap3A_240 = tpu.vector_load %arg6[%swap3A_238, %swap3A_239] {strides = array<i32>} : memref<128x64xf32, #tpu.memory_space<vmem>>, vector<1x16xf32>,
        %swap3A_241 = vector.shape_cast %swap3A_240 : vector<1x16xf32> to vector<16xf32>
        %swap3A_242 = vector.shape_cast %mul3A_237 : vector<16xf32> to vector<1x16xf32>
        tpu.vector_store %arg6[%swap3A_238, %swap3A_239], %swap3A_242 {strides = array<i32>} : memref<128x64xf32, #tpu.memory_space<vmem>>, vector<1x16xf32>,
        %get3A_243 = arith.index_cast %scan3A_218 : i32 to index
        %get3A_244 = arith.constant 32 : index
        %get3A_245 = tpu.vector_load %arg6[%get3A_243, %get3A_244] {strides = array<i32>} : memref<128x64xf32, #tpu.memory_space<vmem>>, vector<1x16xf32>,
        %get3A_246 = vector.shape_cast %get3A_245 : vector<1x16xf32> to vector<16xf32>
        %mul3A_247 = arith.constant 8.000000e+00 : f32
        %mul3A_248 = vector.broadcast %mul3A_247 : f32 to vector<16xf32>
        %mul3A_249 = arith.mulf %get3A_246, %mul3A_248 : vector<16xf32>
        %swap3A_250 = arith.index_cast %scan3A_218 : i32 to index
        %swap3A_251 = arith.constant 32 : index
        %swap3A_252 = tpu.vector_load %arg6[%swap3A_250, %swap3A_251] {strides = array<i32>} : memref<128x64xf32, #tpu.memory_space<vmem>>, vector<1x16xf32>,
        %swap3A_253 = vector.shape_cast %swap3A_252 : vector<1x16xf32> to vector<16xf32>
        %swap3A_254 = vector.shape_cast %mul3A_249 : vector<16xf32> to vector<1x16xf32>
        tpu.vector_store %arg6[%swap3A_250, %swap3A_251], %swap3A_254 {strides = array<i32>} : memref<128x64xf32, #tpu.memory_space<vmem>>, vector<1x16xf32>,
        %get3A_255 = arith.index_cast %scan3A_218 : i32 to index
        %get3A_256 = arith.constant 48 : index
        %get3A_257 = tpu.vector_load %arg6[%get3A_255, %get3A_256] {strides = array<i32>} : memref<128x64xf32, #tpu.memory_space<vmem>>, vector<1x16xf32>,
        %get3A_258 = vector.shape_cast %get3A_257 : vector<1x16xf32> to vector<16xf32>
        %mul3A_259 = arith.constant 8.000000e+00 : f32
        %mul3A_260 = vector.broadcast %mul3A_259 : f32 to vector<16xf32>
        %mul3A_261 = arith.mulf %get3A_258, %mul3A_260 : vector<16xf32>
        %swap3A_262 = arith.index_cast %scan3A_218 : i32 to index
        %swap3A_263 = arith.constant 48 : index
        %swap3A_264 = tpu.vector_load %arg6[%swap3A_262, %swap3A_263] {strides = array<i32>} : memref<128x64xf32, #tpu.memory_space<vmem>>, vector<1x16xf32>,
        %swap3A_265 = vector.shape_cast %swap3A_264 : vector<1x16xf32> to vector<16xf32>
        %swap3A_266 = vector.shape_cast %mul3A_261 : vector<16xf32> to vector<1x16xf32>
        tpu.vector_store %arg6[%swap3A_262, %swap3A_263], %swap3A_266 {strides = array<i32>} : memref<128x64xf32, #tpu.memory_space<vmem>>, vector<1x16xf32>,
        %scan3A_267 = arith.constant 2 : i32
        %scan3A_268 = arith.addi %scan3A_170, %scan3A_267 : i32
        %get3A_269 = arith.index_cast %scan3A_268 : i32 to index
        %get3A_270 = arith.constant 0 : index
        %get3A_271 = tpu.vector_load %arg6[%get3A_269, %get3A_270] {strides = array<i32>} : memref<128x64xf32, #tpu.memory_space<vmem>>, vector<1x16xf32>,
        %get3A_272 = vector.shape_cast %get3A_271 : vector<1x16xf32> to vector<16xf32>
        %mul3A_273 = arith.constant 8.000000e+00 : f32
        %mul3A_274 = vector.broadcast %mul3A_273 : f32 to vector<16xf32>
        %mul3A_275 = arith.mulf %get3A_272, %mul3A_274 : vector<16xf32>
        %swap3A_276 = arith.index_cast %scan3A_268 : i32 to index
        %swap3A_277 = arith.constant 0 : index
        %swap3A_278 = tpu.vector_load %arg6[%swap3A_276, %swap3A_277] {strides = array<i32>} : memref<128x64xf32, #tpu.memory_space<vmem>>, vector<1x16xf32>,
        %swap3A_279 = vector.shape_cast %swap3A_278 : vector<1x16xf32> to vector<16xf32>
        %swap3A_280 = vector.shape_cast %mul3A_275 : vector<16xf32> to vector<1x16xf32>
        tpu.vector_store %arg6[%swap3A_276, %swap3A_277], %swap3A_280 {strides = array<i32>} : memref<128x64xf32, #tpu.memory_space<vmem>>, vector<1x16xf32>,
        %get3A_281 = arith.index_cast %scan3A_268 : i32 to index
        %get3A_282 = arith.constant 16 : index
        %get3A_283 = tpu.vector_load %arg6[%get3A_281, %get3A_282] {strides = array<i32>} : memref<128x64xf32, #tpu.memory_space<vmem>>, vector<1x16xf32>,
        %get3A_284 = vector.shape_cast %get3A_283 : vector<1x16xf32> to vector<16xf32>
        %mul3A_285 = arith.constant 8.000000e+00 : f32
        %mul3A_286 = vector.broadcast %mul3A_285 : f32 to vector<16xf32>
        %mul3A_287 = arith.mulf %get3A_284, %mul3A_286 : vector<16xf32>
        %swap3A_288 = arith.index_cast %scan3A_268 : i32 to index
        %swap3A_289 = arith.constant 16 : index
        %swap3A_290 = tpu.vector_load %arg6[%swap3A_288, %swap3A_289] {strides = array<i32>} : memref<128x64xf32, #tpu.memory_space<vmem>>, vector<1x16xf32>,
        %swap3A_291 = vector.shape_cast %swap3A_290 : vector<1x16xf32> to vector<16xf32>
        %swap3A_292 = vector.shape_cast %mul3A_287 : vector<16xf32> to vector<1x16xf32>
        tpu.vector_store %arg6[%swap3A_288, %swap3A_289], %swap3A_292 {strides = array<i32>} : memref<128x64xf32, #tpu.memory_space<vmem>>, vector<1x16xf32>,
        %get3A_293 = arith.index_cast %scan3A_268 : i32 to index
        %get3A_294 = arith.constant 32 : index
        %get3A_295 = tpu.vector_load %arg6[%get3A_293, %get3A_294] {strides = array<i32>} : memref<128x64xf32, #tpu.memory_space<vmem>>, vector<1x16xf32>,
        %get3A_296 = vector.shape_cast %get3A_295 : vector<1x16xf32> to vector<16xf32>
        %mul3A_297 = arith.constant 8.000000e+00 : f32
        %mul3A_298 = vector.broadcast %mul3A_297 : f32 to vector<16xf32>
        %mul3A_299 = arith.mulf %get3A_296, %mul3A_298 : vector<16xf32>
        %swap3A_300 = arith.index_cast %scan3A_268 : i32 to index
        %swap3A_301 = arith.constant 32 : index
        %swap3A_302 = tpu.vector_load %arg6[%swap3A_300, %swap3A_301] {strides = array<i32>} : memref<128x64xf32, #tpu.memory_space<vmem>>, vector<1x16xf32>,
        %swap3A_303 = vector.shape_cast %swap3A_302 : vector<1x16xf32> to vector<16xf32>
        %swap3A_304 = vector.shape_cast %mul3A_299 : vector<16xf32> to vector<1x16xf32>
        tpu.vector_store %arg6[%swap3A_300, %swap3A_301], %swap3A_304 {strides = array<i32>} : memref<128x64xf32, #tpu.memory_space<vmem>>, vector<1x16xf32>,
        %get3A_305 = arith.index_cast %scan3A_268 : i32 to index
        %get3A_306 = arith.constant 48 : index
        %get3A_307 = tpu.vector_load %arg6[%get3A_305, %get3A_306] {strides = array<i32>} : memref<128x64xf32, #tpu.memory_space<vmem>>, vector<1x16xf32>,
        %get3A_308 = vector.shape_cast %get3A_307 : vector<1x16xf32> to vector<16xf32>
        %mul3A_309 = arith.constant 8.000000e+00 : f32
        %mul3A_310 = vector.broadcast %mul3A_309 : f32 to vector<16xf32>
        %mul3A_311 = arith.mulf %get3A_308, %mul3A_310 : vector<16xf32>
        %swap3A_312 = arith.index_cast %scan3A_268 : i32 to index
        %swap3A_313 = arith.constant 48 : index
        %swap3A_314 = tpu.vector_load %arg6[%swap3A_312, %swap3A_313] {strides = array<i32>} : memref<128x64xf32, #tpu.memory_space<vmem>>, vector<1x16xf32>,
        %swap3A_315 = vector.shape_cast %swap3A_314 : vector<1x16xf32> to vector<16xf32>
        %swap3A_316 = vector.shape_cast %mul3A_311 : vector<16xf32> to vector<1x16xf32>
        tpu.vector_store %arg6[%swap3A_312, %swap3A_313], %swap3A_316 {strides = array<i32>} : memref<128x64xf32, #tpu.memory_space<vmem>>, vector<1x16xf32>,
        %scan3A_317 = arith.constant 3 : i32
        %scan3A_318 = arith.addi %scan3A_170, %scan3A_317 : i32
        %get3A_319 = arith.index_cast %scan3A_318 : i32 to index
        %get3A_320 = arith.constant 0 : index
        %get3A_321 = tpu.vector_load %arg6[%get3A_319, %get3A_320] {strides = array<i32>} : memref<128x64xf32, #tpu.memory_space<vmem>>, vector<1x16xf32>,
        %get3A_322 = vector.shape_cast %get3A_321 : vector<1x16xf32> to vector<16xf32>
        %mul3A_323 = arith.constant 8.000000e+00 : f32
        %mul3A_324 = vector.broadcast %mul3A_323 : f32 to vector<16xf32>
        %mul3A_325 = arith.mulf %get3A_322, %mul3A_324 : vector<16xf32>
        %swap3A_326 = arith.index_cast %scan3A_318 : i32 to index
        %swap3A_327 = arith.constant 0 : index
        %swap3A_328 = tpu.vector_load %arg6[%swap3A_326, %swap3A_327] {strides = array<i32>} : memref<128x64xf32, #tpu.memory_space<vmem>>, vector<1x16xf32>,
        %swap3A_329 = vector.shape_cast %swap3A_328 : vector<1x16xf32> to vector<16xf32>
        %swap3A_330 = vector.shape_cast %mul3A_325 : vector<16xf32> to vector<1x16xf32>
        tpu.vector_store %arg6[%swap3A_326, %swap3A_327], %swap3A_330 {strides = array<i32>} : memref<128x64xf32, #tpu.memory_space<vmem>>, vector<1x16xf32>,
        %get3A_331 = arith.index_cast %scan3A_318 : i32 to index
        %get3A_332 = arith.constant 16 : index
        %get3A_333 = tpu.vector_load %arg6[%get3A_331, %get3A_332] {strides = array<i32>} : memref<128x64xf32, #tpu.memory_space<vmem>>, vector<1x16xf32>,
        %get3A_334 = vector.shape_cast %get3A_333 : vector<1x16xf32> to vector<16xf32>
        %mul3A_335 = arith.constant 8.000000e+00 : f32
        %mul3A_336 = vector.broadcast %mul3A_335 : f32 to vector<16xf32>
        %mul3A_337 = arith.mulf %get3A_334, %mul3A_336 : vector<16xf32>
        %swap3A_338 = arith.index_cast %scan3A_318 : i32 to index
        %swap3A_339 = arith.constant 16 : index
        %swap3A_340 = tpu.vector_load %arg6[%swap3A_338, %swap3A_339] {strides = array<i32>} : memref<128x64xf32, #tpu.memory_space<vmem>>, vector<1x16xf32>,
        %swap3A_341 = vector.shape_cast %swap3A_340 : vector<1x16xf32> to vector<16xf32>
        %swap3A_342 = vector.shape_cast %mul3A_337 : vector<16xf32> to vector<1x16xf32>
        tpu.vector_store %arg6[%swap3A_338, %swap3A_339], %swap3A_342 {strides = array<i32>} : memref<128x64xf32, #tpu.memory_space<vmem>>, vector<1x16xf32>,
        %get3A_343 = arith.index_cast %scan3A_318 : i32 to index
        %get3A_344 = arith.constant 32 : index
        %get3A_345 = tpu.vector_load %arg6[%get3A_343, %get3A_344] {strides = array<i32>} : memref<128x64xf32, #tpu.memory_space<vmem>>, vector<1x16xf32>,
        %get3A_346 = vector.shape_cast %get3A_345 : vector<1x16xf32> to vector<16xf32>
        %mul3A_347 = arith.constant 8.000000e+00 : f32
        %mul3A_348 = vector.broadcast %mul3A_347 : f32 to vector<16xf32>
        %mul3A_349 = arith.mulf %get3A_346, %mul3A_348 : vector<16xf32>
        %swap3A_350 = arith.index_cast %scan3A_318 : i32 to index
        %swap3A_351 = arith.constant 32 : index
        %swap3A_352 = tpu.vector_load %arg6[%swap3A_350, %swap3A_351] {strides = array<i32>} : memref<128x64xf32, #tpu.memory_space<vmem>>, vector<1x16xf32>,
        %swap3A_353 = vector.shape_cast %swap3A_352 : vector<1x16xf32> to vector<16xf32>
        %swap3A_354 = vector.shape_cast %mul3A_349 : vector<16xf32> to vector<1x16xf32>
        tpu.vector_store %arg6[%swap3A_350, %swap3A_351], %swap3A_354 {strides = array<i32>} : memref<128x64xf32, #tpu.memory_space<vmem>>, vector<1x16xf32>,
        %get3A_355 = arith.index_cast %scan3A_318 : i32 to index
        %get3A_356 = arith.constant 48 : index
        %get3A_357 = tpu.vector_load %arg6[%get3A_355, %get3A_356] {strides = array<i32>} : memref<128x64xf32, #tpu.memory_space<vmem>>, vector<1x16xf32>,
        %get3A_358 = vector.shape_cast %get3A_357 : vector<1x16xf32> to vector<16xf32>
        %mul3A_359 = arith.constant 8.000000e+00 : f32
        %mul3A_360 = vector.broadcast %mul3A_359 : f32 to vector<16xf32>
        %mul3A_361 = arith.mulf %get3A_358, %mul3A_360 : vector<16xf32>
        %swap3A_362 = arith.index_cast %scan3A_318 : i32 to index
        %swap3A_363 = arith.constant 48 : index
        %swap3A_364 = tpu.vector_load %arg6[%swap3A_362, %swap3A_363] {strides = array<i32>} : memref<128x64xf32, #tpu.memory_space<vmem>>, vector<1x16xf32>,
        %swap3A_365 = vector.shape_cast %swap3A_364 : vector<1x16xf32> to vector<16xf32>
        %swap3A_366 = vector.shape_cast %mul3A_361 : vector<16xf32> to vector<1x16xf32>
        tpu.vector_store %arg6[%swap3A_362, %swap3A_363], %swap3A_366 {strides = array<i32>} : memref<128x64xf32, #tpu.memory_space<vmem>>, vector<1x16xf32>,
      }
      %scan3A_61 = arith.constant 128 : i32
      %mul3A_62 = arith.constant 128 : i32
      %mul3A_63 = arith.muli %add3A_49, %mul3A_62 : i32
      %add3A_64 = arith.addi %mul3A_2, %mul3A_63 : i32
      %dma_start3A_65 = arith.constant 0 : i32
      %dma_start3A_66 = tpu.memref_slice %arg4[%add3A_64, %dma_start3A_65] : memref<819200x64xf32, #tpu.memory_space<hbm>> -> memref<128x64xf32, #tpu.memory_space<hbm>>
      %dma_start3A_67 = arith.constant 0 : i32
      %dma_start3A_68 = tpu.memref_slice %arg4[%add3A_64, %dma_start3A_67] : memref<819200x64xf32, #tpu.memory_space<hbm>> -> memref<128x64xf32, #tpu.memory_space<hbm>>
      tpu.enqueue_dma source(%arg6 : memref<128x64xf32, #tpu.memory_space<vmem>>) target(%dma_start3A_68 : memref<128x64xf32, #tpu.memory_space<hbm>>) target_semaphore(%arg14 : memref<!tpu.dma_semaphore, #tpu.memory_space<semaphore_mem>>)
      %add3A_69 = arith.constant 4 : i32
      %add3A_70 = arith.addi %add3A_49, %add3A_69 : i32
      %sub3A = arith.constant 1 : i32
      %sub3A_71 = arith.subi %add3A_70, %sub3A : i32
      %lt3A = arith.constant 200 : i32
      %lt3A_72 = arith.cmpi slt, %sub3A_71, %lt3A : i32
      %convert_element_type3A = arith.extui %lt3A_72 : i1 to i32
      %cond3A = arith.constant 0 : i32
      %cond3A_73 = arith.cmpi ne, %convert_element_type3A, %cond3A : i32
      scf.if %cond3A_73 {
        %ge3A = arith.constant 1 : i32
        %ge3A_170 = arith.cmpi sge, %add3A_49, %ge3A : i32
        %convert_element_type3A_171 = arith.extui %ge3A_170 : i1 to i32
        %cond3A_172 = arith.constant 0 : i32
        %cond3A_173 = arith.cmpi ne, %convert_element_type3A_171, %cond3A_172 : i32
        scf.if %cond3A_173 {
          %sub3A_180 = arith.constant 1 : i32
          %sub3A_181 = arith.subi %add3A_49, %sub3A_180 : i32
          %mul3A_182 = arith.constant 128 : i32
          %mul3A_183 = arith.muli %sub3A_181, %mul3A_182 : i32
          %add3A_184 = arith.addi %mul3A_2, %mul3A_183 : i32
          %dma_wait3A_185 = arith.constant 0 : i32
          %dma_wait3A_186 = tpu.memref_slice %arg4[%add3A_184, %dma_wait3A_185] : memref<819200x64xf32, #tpu.memory_space<hbm>> -> memref<128x64xf32, #tpu.memory_space<hbm>>
          %dma_wait3A_187 = arith.constant 0 : i32
          %dma_wait3A_188 = tpu.memref_slice %arg4[%add3A_184, %dma_wait3A_187] : memref<819200x64xf32, #tpu.memory_space<hbm>> -> memref<128x64xf32, #tpu.memory_space<hbm>>
          tpu.wait_dma2 semaphore(%arg17 : memref<!tpu.dma_semaphore, #tpu.memory_space<semaphore_mem>>) src(%arg9 : memref<128x64xf32, #tpu.memory_space<vmem>>) dst(%dma_wait3A_188 : memref<128x64xf32, #tpu.memory_space<hbm>>)
        } else {
        }
        %mul3A_174 = arith.constant 128 : i32
        %mul3A_175 = arith.muli %sub3A_71, %mul3A_174 : i32
        %dma_start3A_176 = tpu.memref_slice %arg5[%mul3A_175] : memref<25600xi32, #tpu.memory_space<vmem>> -> memref<128xi32, #tpu.memory_space<vmem>>
        %dma_start3A_177 = arith.constant 0 : i32
        %dma_start3A_178 = arith.constant 0 : i32
        %dma_start3A_179 = tpu.memref_slice %arg3[%dma_start3A_177, %dma_start3A_178] : memref<1000000x64xf32, #tpu.memory_space<hbm>> -> memref<1000000x64xf32, #tpu.memory_space<hbm>>
        tpu.enqueue_indirect_dma source(%dma_start3A_179 : memref<1000000x64xf32, #tpu.memory_space<hbm>>) target(%arg9 : memref<128x64xf32, #tpu.memory_space<vmem>>) offsets(%dma_start3A_176 : memref<128xi32, #tpu.memory_space<vmem>>) semaphore(%arg13 : memref<!tpu.dma_semaphore, #tpu.memory_space<semaphore_mem>>)
      } else {
      }
      %mul3A_74 = arith.constant 4 : i32
      %mul3A_75 = arith.muli %scan3A_45, %mul3A_74 : i32
      %add3A_76 = arith.constant 1 : i32
      %add3A_77 = arith.addi %mul3A_75, %add3A_76 : i32
      %mul3A_78 = arith.constant 128 : i32
      %mul3A_79 = arith.muli %add3A_77, %mul3A_78 : i32
      %dma_wait3A_80 = tpu.memref_slice %arg5[%mul3A_79] : memref<25600xi32, #tpu.memory_space<vmem>> -> memref<128xi32, #tpu.memory_space<vmem>>
      %dma_wait3A_81 = arith.constant 0 : i32
      %dma_wait3A_82 = arith.constant 0 : i32
      %dma_wait3A_83 = tpu.memref_slice %arg3[%dma_wait3A_81, %dma_wait3A_82] : memref<1000000x64xf32, #tpu.memory_space<hbm>> -> memref<1000000x64xf32, #tpu.memory_space<hbm>>
      tpu.wait_indirect_dma semaphore(%arg11 : memref<!tpu.dma_semaphore, #tpu.memory_space<semaphore_mem>>) src(%dma_wait3A_83 : memref<1000000x64xf32, #tpu.memory_space<hbm>>) dst(%arg7 : memref<128x64xf32, #tpu.memory_space<vmem>>)
      %scan3A_84 = arith.constant 0 : i32
      %scan3A_85 = arith.constant 0 : i32
      %scan3A_86 = arith.constant 128 : i32
      %scan3A_87 = arith.addi %scan3A_85, %scan3A_86 : i32
      %scan3A_88 = arith.constant 4 : i32
      scf.for %scan3A_170 = %scan3A_85 to %scan3A_87 step %scan3A_88  : i32 {
        %get3A = arith.index_cast %scan3A_170 : i32 to index
        %get3A_171 = arith.constant 0 : index
        %get3A_172 = tpu.vector_load %arg7[%get3A, %get3A_171] {strides = array<i32>} : memref<128x64xf32, #tpu.memory_space<vmem>>, vector<1x16xf32>,
        %get3A_173 = vector.shape_cast %get3A_172 : vector<1x16xf32> to vector<16xf32>
        %mul3A_174 = arith.constant 8.000000e+00 : f32
        %mul3A_175 = vector.broadcast %mul3A_174 : f32 to vector<16xf32>
        %mul3A_176 = arith.mulf %get3A_173, %mul3A_175 : vector<16xf32>
        %swap3A = arith.index_cast %scan3A_170 : i32 to index
        %swap3A_177 = arith.constant 0 : index
        %swap3A_178 = tpu.vector_load %arg7[%swap3A, %swap3A_177] {strides = array<i32>} : memref<128x64xf32, #tpu.memory_space<vmem>>, vector<1x16xf32>,
        %swap3A_179 = vector.shape_cast %swap3A_178 : vector<1x16xf32> to vector<16xf32>
        %swap3A_180 = vector.shape_cast %mul3A_176 : vector<16xf32> to vector<1x16xf32>
        tpu.vector_store %arg7[%swap3A, %swap3A_177], %swap3A_180 {strides = array<i32>} : memref<128x64xf32, #tpu.memory_space<vmem>>, vector<1x16xf32>,
        %get3A_181 = arith.index_cast %scan3A_170 : i32 to index
        %get3A_182 = arith.constant 16 : index
        %get3A_183 = tpu.vector_load %arg7[%get3A_181, %get3A_182] {strides = array<i32>} : memref<128x64xf32, #tpu.memory_space<vmem>>, vector<1x16xf32>,
        %get3A_184 = vector.shape_cast %get3A_183 : vector<1x16xf32> to vector<16xf32>
        %mul3A_185 = arith.constant 8.000000e+00 : f32
        %mul3A_186 = vector.broadcast %mul3A_185 : f32 to vector<16xf32>
        %mul3A_187 = arith.mulf %get3A_184, %mul3A_186 : vector<16xf32>
        %swap3A_188 = arith.index_cast %scan3A_170 : i32 to index
        %swap3A_189 = arith.constant 16 : index
        %swap3A_190 = tpu.vector_load %arg7[%swap3A_188, %swap3A_189] {strides = array<i32>} : memref<128x64xf32, #tpu.memory_space<vmem>>, vector<1x16xf32>,
        %swap3A_191 = vector.shape_cast %swap3A_190 : vector<1x16xf32> to vector<16xf32>
        %swap3A_192 = vector.shape_cast %mul3A_187 : vector<16xf32> to vector<1x16xf32>
        tpu.vector_store %arg7[%swap3A_188, %swap3A_189], %swap3A_192 {strides = array<i32>} : memref<128x64xf32, #tpu.memory_space<vmem>>, vector<1x16xf32>,
        %get3A_193 = arith.index_cast %scan3A_170 : i32 to index
        %get3A_194 = arith.constant 32 : index
        %get3A_195 = tpu.vector_load %arg7[%get3A_193, %get3A_194] {strides = array<i32>} : memref<128x64xf32, #tpu.memory_space<vmem>>, vector<1x16xf32>,
        %get3A_196 = vector.shape_cast %get3A_195 : vector<1x16xf32> to vector<16xf32>
        %mul3A_197 = arith.constant 8.000000e+00 : f32
        %mul3A_198 = vector.broadcast %mul3A_197 : f32 to vector<16xf32>
        %mul3A_199 = arith.mulf %get3A_196, %mul3A_198 : vector<16xf32>
        %swap3A_200 = arith.index_cast %scan3A_170 : i32 to index
        %swap3A_201 = arith.constant 32 : index
        %swap3A_202 = tpu.vector_load %arg7[%swap3A_200, %swap3A_201] {strides = array<i32>} : memref<128x64xf32, #tpu.memory_space<vmem>>, vector<1x16xf32>,
        %swap3A_203 = vector.shape_cast %swap3A_202 : vector<1x16xf32> to vector<16xf32>
        %swap3A_204 = vector.shape_cast %mul3A_199 : vector<16xf32> to vector<1x16xf32>
        tpu.vector_store %arg7[%swap3A_200, %swap3A_201], %swap3A_204 {strides = array<i32>} : memref<128x64xf32, #tpu.memory_space<vmem>>, vector<1x16xf32>,
        %get3A_205 = arith.index_cast %scan3A_170 : i32 to index
        %get3A_206 = arith.constant 48 : index
        %get3A_207 = tpu.vector_load %arg7[%get3A_205, %get3A_206] {strides = array<i32>} : memref<128x64xf32, #tpu.memory_space<vmem>>, vector<1x16xf32>,
        %get3A_208 = vector.shape_cast %get3A_207 : vector<1x16xf32> to vector<16xf32>
        %mul3A_209 = arith.constant 8.000000e+00 : f32
        %mul3A_210 = vector.broadcast %mul3A_209 : f32 to vector<16xf32>
        %mul3A_211 = arith.mulf %get3A_208, %mul3A_210 : vector<16xf32>
        %swap3A_212 = arith.index_cast %scan3A_170 : i32 to index
        %swap3A_213 = arith.constant 48 : index
        %swap3A_214 = tpu.vector_load %arg7[%swap3A_212, %swap3A_213] {strides = array<i32>} : memref<128x64xf32, #tpu.memory_space<vmem>>, vector<1x16xf32>,
        %swap3A_215 = vector.shape_cast %swap3A_214 : vector<1x16xf32> to vector<16xf32>
        %swap3A_216 = vector.shape_cast %mul3A_211 : vector<16xf32> to vector<1x16xf32>
        tpu.vector_store %arg7[%swap3A_212, %swap3A_213], %swap3A_216 {strides = array<i32>} : memref<128x64xf32, #tpu.memory_space<vmem>>, vector<1x16xf32>,
        %scan3A_217 = arith.constant 1 : i32
        %scan3A_218 = arith.addi %scan3A_170, %scan3A_217 : i32
        %get3A_219 = arith.index_cast %scan3A_218 : i32 to index
        %get3A_220 = arith.constant 0 : index
        %get3A_221 = tpu.vector_load %arg7[%get3A_219, %get3A_220] {strides = array<i32>} : memref<128x64xf32, #tpu.memory_space<vmem>>, vector<1x16xf32>,
        %get3A_222 = vector.shape_cast %get3A_221 : vector<1x16xf32> to vector<16xf32>
        %mul3A_223 = arith.constant 8.000000e+00 : f32
        %mul3A_224 = vector.broadcast %mul3A_223 : f32 to vector<16xf32>
        %mul3A_225 = arith.mulf %get3A_222, %mul3A_224 : vector<16xf32>
        %swap3A_226 = arith.index_cast %scan3A_218 : i32 to index
        %swap3A_227 = arith.constant 0 : index
        %swap3A_228 = tpu.vector_load %arg7[%swap3A_226, %swap3A_227] {strides = array<i32>} : memref<128x64xf32, #tpu.memory_space<vmem>>, vector<1x16xf32>,
        %swap3A_229 = vector.shape_cast %swap3A_228 : vector<1x16xf32> to vector<16xf32>
        %swap3A_230 = vector.shape_cast %mul3A_225 : vector<16xf32> to vector<1x16xf32>
        tpu.vector_store %arg7[%swap3A_226, %swap3A_227], %swap3A_230 {strides = array<i32>} : memref<128x64xf32, #tpu.memory_space<vmem>>, vector<1x16xf32>,
        %get3A_231 = arith.index_cast %scan3A_218 : i32 to index
        %get3A_232 = arith.constant 16 : index
        %get3A_233 = tpu.vector_load %arg7[%get3A_231, %get3A_232] {strides = array<i32>} : memref<128x64xf32, #tpu.memory_space<vmem>>, vector<1x16xf32>,
        %get3A_234 = vector.shape_cast %get3A_233 : vector<1x16xf32> to vector<16xf32>
        %mul3A_235 = arith.constant 8.000000e+00 : f32
        %mul3A_236 = vector.broadcast %mul3A_235 : f32 to vector<16xf32>
        %mul3A_237 = arith.mulf %get3A_234, %mul3A_236 : vector<16xf32>
        %swap3A_238 = arith.index_cast %scan3A_218 : i32 to index
        %swap3A_239 = arith.constant 16 : index
        %swap3A_240 = tpu.vector_load %arg7[%swap3A_238, %swap3A_239] {strides = array<i32>} : memref<128x64xf32, #tpu.memory_space<vmem>>, vector<1x16xf32>,
        %swap3A_241 = vector.shape_cast %swap3A_240 : vector<1x16xf32> to vector<16xf32>
        %swap3A_242 = vector.shape_cast %mul3A_237 : vector<16xf32> to vector<1x16xf32>
        tpu.vector_store %arg7[%swap3A_238, %swap3A_239], %swap3A_242 {strides = array<i32>} : memref<128x64xf32, #tpu.memory_space<vmem>>, vector<1x16xf32>,
        %get3A_243 = arith.index_cast %scan3A_218 : i32 to index
        %get3A_244 = arith.constant 32 : index
        %get3A_245 = tpu.vector_load %arg7[%get3A_243, %get3A_244] {strides = array<i32>} : memref<128x64xf32, #tpu.memory_space<vmem>>, vector<1x16xf32>,
        %get3A_246 = vector.shape_cast %get3A_245 : vector<1x16xf32> to vector<16xf32>
        %mul3A_247 = arith.constant 8.000000e+00 : f32
        %mul3A_248 = vector.broadcast %mul3A_247 : f32 to vector<16xf32>
        %mul3A_249 = arith.mulf %get3A_246, %mul3A_248 : vector<16xf32>
        %swap3A_250 = arith.index_cast %scan3A_218 : i32 to index
        %swap3A_251 = arith.constant 32 : index
        %swap3A_252 = tpu.vector_load %arg7[%swap3A_250, %swap3A_251] {strides = array<i32>} : memref<128x64xf32, #tpu.memory_space<vmem>>, vector<1x16xf32>,
        %swap3A_253 = vector.shape_cast %swap3A_252 : vector<1x16xf32> to vector<16xf32>
        %swap3A_254 = vector.shape_cast %mul3A_249 : vector<16xf32> to vector<1x16xf32>
        tpu.vector_store %arg7[%swap3A_250, %swap3A_251], %swap3A_254 {strides = array<i32>} : memref<128x64xf32, #tpu.memory_space<vmem>>, vector<1x16xf32>,
        %get3A_255 = arith.index_cast %scan3A_218 : i32 to index
        %get3A_256 = arith.constant 48 : index
        %get3A_257 = tpu.vector_load %arg7[%get3A_255, %get3A_256] {strides = array<i32>} : memref<128x64xf32, #tpu.memory_space<vmem>>, vector<1x16xf32>,
        %get3A_258 = vector.shape_cast %get3A_257 : vector<1x16xf32> to vector<16xf32>
        %mul3A_259 = arith.constant 8.000000e+00 : f32
        %mul3A_260 = vector.broadcast %mul3A_259 : f32 to vector<16xf32>
        %mul3A_261 = arith.mulf %get3A_258, %mul3A_260 : vector<16xf32>
        %swap3A_262 = arith.index_cast %scan3A_218 : i32 to index
        %swap3A_263 = arith.constant 48 : index
        %swap3A_264 = tpu.vector_load %arg7[%swap3A_262, %swap3A_263] {strides = array<i32>} : memref<128x64xf32, #tpu.memory_space<vmem>>, vector<1x16xf32>,
        %swap3A_265 = vector.shape_cast %swap3A_264 : vector<1x16xf32> to vector<16xf32>
        %swap3A_266 = vector.shape_cast %mul3A_261 : vector<16xf32> to vector<1x16xf32>
        tpu.vector_store %arg7[%swap3A_262, %swap3A_263], %swap3A_266 {strides = array<i32>} : memref<128x64xf32, #tpu.memory_space<vmem>>, vector<1x16xf32>,
        %scan3A_267 = arith.constant 2 : i32
        %scan3A_268 = arith.addi %scan3A_170, %scan3A_267 : i32
        %get3A_269 = arith.index_cast %scan3A_268 : i32 to index
        %get3A_270 = arith.constant 0 : index
        %get3A_271 = tpu.vector_load %arg7[%get3A_269, %get3A_270] {strides = array<i32>} : memref<128x64xf32, #tpu.memory_space<vmem>>, vector<1x16xf32>,
        %get3A_272 = vector.shape_cast %get3A_271 : vector<1x16xf32> to vector<16xf32>
        %mul3A_273 = arith.constant 8.000000e+00 : f32
        %mul3A_274 = vector.broadcast %mul3A_273 : f32 to vector<16xf32>
        %mul3A_275 = arith.mulf %get3A_272, %mul3A_274 : vector<16xf32>
        %swap3A_276 = arith.index_cast %scan3A_268 : i32 to index
        %swap3A_277 = arith.constant 0 : index
        %swap3A_278 = tpu.vector_load %arg7[%swap3A_276, %swap3A_277] {strides = array<i32>} : memref<128x64xf32, #tpu.memory_space<vmem>>, vector<1x16xf32>,
        %swap3A_279 = vector.shape_cast %swap3A_278 : vector<1x16xf32> to vector<16xf32>
        %swap3A_280 = vector.shape_cast %mul3A_275 : vector<16xf32> to vector<1x16xf32>
        tpu.vector_store %arg7[%swap3A_276, %swap3A_277], %swap3A_280 {strides = array<i32>} : memref<128x64xf32, #tpu.memory_space<vmem>>, vector<1x16xf32>,
        %get3A_281 = arith.index_cast %scan3A_268 : i32 to index
        %get3A_282 = arith.constant 16 : index
        %get3A_283 = tpu.vector_load %arg7[%get3A_281, %get3A_282] {strides = array<i32>} : memref<128x64xf32, #tpu.memory_space<vmem>>, vector<1x16xf32>,
        %get3A_284 = vector.shape_cast %get3A_283 : vector<1x16xf32> to vector<16xf32>
        %mul3A_285 = arith.constant 8.000000e+00 : f32
        %mul3A_286 = vector.broadcast %mul3A_285 : f32 to vector<16xf32>
        %mul3A_287 = arith.mulf %get3A_284, %mul3A_286 : vector<16xf32>
        %swap3A_288 = arith.index_cast %scan3A_268 : i32 to index
        %swap3A_289 = arith.constant 16 : index
        %swap3A_290 = tpu.vector_load %arg7[%swap3A_288, %swap3A_289] {strides = array<i32>} : memref<128x64xf32, #tpu.memory_space<vmem>>, vector<1x16xf32>,
        %swap3A_291 = vector.shape_cast %swap3A_290 : vector<1x16xf32> to vector<16xf32>
        %swap3A_292 = vector.shape_cast %mul3A_287 : vector<16xf32> to vector<1x16xf32>
        tpu.vector_store %arg7[%swap3A_288, %swap3A_289], %swap3A_292 {strides = array<i32>} : memref<128x64xf32, #tpu.memory_space<vmem>>, vector<1x16xf32>,
        %get3A_293 = arith.index_cast %scan3A_268 : i32 to index
        %get3A_294 = arith.constant 32 : index
        %get3A_295 = tpu.vector_load %arg7[%get3A_293, %get3A_294] {strides = array<i32>} : memref<128x64xf32, #tpu.memory_space<vmem>>, vector<1x16xf32>,
        %get3A_296 = vector.shape_cast %get3A_295 : vector<1x16xf32> to vector<16xf32>
        %mul3A_297 = arith.constant 8.000000e+00 : f32
        %mul3A_298 = vector.broadcast %mul3A_297 : f32 to vector<16xf32>
        %mul3A_299 = arith.mulf %get3A_296, %mul3A_298 : vector<16xf32>
        %swap3A_300 = arith.index_cast %scan3A_268 : i32 to index
        %swap3A_301 = arith.constant 32 : index
        %swap3A_302 = tpu.vector_load %arg7[%swap3A_300, %swap3A_301] {strides = array<i32>} : memref<128x64xf32, #tpu.memory_space<vmem>>, vector<1x16xf32>,
        %swap3A_303 = vector.shape_cast %swap3A_302 : vector<1x16xf32> to vector<16xf32>
        %swap3A_304 = vector.shape_cast %mul3A_299 : vector<16xf32> to vector<1x16xf32>
        tpu.vector_store %arg7[%swap3A_300, %swap3A_301], %swap3A_304 {strides = array<i32>} : memref<128x64xf32, #tpu.memory_space<vmem>>, vector<1x16xf32>,
        %get3A_305 = arith.index_cast %scan3A_268 : i32 to index
        %get3A_306 = arith.constant 48 : index
        %get3A_307 = tpu.vector_load %arg7[%get3A_305, %get3A_306] {strides = array<i32>} : memref<128x64xf32, #tpu.memory_space<vmem>>, vector<1x16xf32>,
        %get3A_308 = vector.shape_cast %get3A_307 : vector<1x16xf32> to vector<16xf32>
        %mul3A_309 = arith.constant 8.000000e+00 : f32
        %mul3A_310 = vector.broadcast %mul3A_309 : f32 to vector<16xf32>
        %mul3A_311 = arith.mulf %get3A_308, %mul3A_310 : vector<16xf32>
        %swap3A_312 = arith.index_cast %scan3A_268 : i32 to index
        %swap3A_313 = arith.constant 48 : index
        %swap3A_314 = tpu.vector_load %arg7[%swap3A_312, %swap3A_313] {strides = array<i32>} : memref<128x64xf32, #tpu.memory_space<vmem>>, vector<1x16xf32>,
        %swap3A_315 = vector.shape_cast %swap3A_314 : vector<1x16xf32> to vector<16xf32>
        %swap3A_316 = vector.shape_cast %mul3A_311 : vector<16xf32> to vector<1x16xf32>
        tpu.vector_store %arg7[%swap3A_312, %swap3A_313], %swap3A_316 {strides = array<i32>} : memref<128x64xf32, #tpu.memory_space<vmem>>, vector<1x16xf32>,
        %scan3A_317 = arith.constant 3 : i32
        %scan3A_318 = arith.addi %scan3A_170, %scan3A_317 : i32
        %get3A_319 = arith.index_cast %scan3A_318 : i32 to index
        %get3A_320 = arith.constant 0 : index
        %get3A_321 = tpu.vector_load %arg7[%get3A_319, %get3A_320] {strides = array<i32>} : memref<128x64xf32, #tpu.memory_space<vmem>>, vector<1x16xf32>,
        %get3A_322 = vector.shape_cast %get3A_321 : vector<1x16xf32> to vector<16xf32>
        %mul3A_323 = arith.constant 8.000000e+00 : f32
        %mul3A_324 = vector.broadcast %mul3A_323 : f32 to vector<16xf32>
        %mul3A_325 = arith.mulf %get3A_322, %mul3A_324 : vector<16xf32>
        %swap3A_326 = arith.index_cast %scan3A_318 : i32 to index
        %swap3A_327 = arith.constant 0 : index
        %swap3A_328 = tpu.vector_load %arg7[%swap3A_326, %swap3A_327] {strides = array<i32>} : memref<128x64xf32, #tpu.memory_space<vmem>>, vector<1x16xf32>,
        %swap3A_329 = vector.shape_cast %swap3A_328 : vector<1x16xf32> to vector<16xf32>
        %swap3A_330 = vector.shape_cast %mul3A_325 : vector<16xf32> to vector<1x16xf32>
        tpu.vector_store %arg7[%swap3A_326, %swap3A_327], %swap3A_330 {strides = array<i32>} : memref<128x64xf32, #tpu.memory_space<vmem>>, vector<1x16xf32>,
        %get3A_331 = arith.index_cast %scan3A_318 : i32 to index
        %get3A_332 = arith.constant 16 : index
        %get3A_333 = tpu.vector_load %arg7[%get3A_331, %get3A_332] {strides = array<i32>} : memref<128x64xf32, #tpu.memory_space<vmem>>, vector<1x16xf32>,
        %get3A_334 = vector.shape_cast %get3A_333 : vector<1x16xf32> to vector<16xf32>
        %mul3A_335 = arith.constant 8.000000e+00 : f32
        %mul3A_336 = vector.broadcast %mul3A_335 : f32 to vector<16xf32>
        %mul3A_337 = arith.mulf %get3A_334, %mul3A_336 : vector<16xf32>
        %swap3A_338 = arith.index_cast %scan3A_318 : i32 to index
        %swap3A_339 = arith.constant 16 : index
        %swap3A_340 = tpu.vector_load %arg7[%swap3A_338, %swap3A_339] {strides = array<i32>} : memref<128x64xf32, #tpu.memory_space<vmem>>, vector<1x16xf32>,
        %swap3A_341 = vector.shape_cast %swap3A_340 : vector<1x16xf32> to vector<16xf32>
        %swap3A_342 = vector.shape_cast %mul3A_337 : vector<16xf32> to vector<1x16xf32>
        tpu.vector_store %arg7[%swap3A_338, %swap3A_339], %swap3A_342 {strides = array<i32>} : memref<128x64xf32, #tpu.memory_space<vmem>>, vector<1x16xf32>,
        %get3A_343 = arith.index_cast %scan3A_318 : i32 to index
        %get3A_344 = arith.constant 32 : index
        %get3A_345 = tpu.vector_load %arg7[%get3A_343, %get3A_344] {strides = array<i32>} : memref<128x64xf32, #tpu.memory_space<vmem>>, vector<1x16xf32>,
        %get3A_346 = vector.shape_cast %get3A_345 : vector<1x16xf32> to vector<16xf32>
        %mul3A_347 = arith.constant 8.000000e+00 : f32
        %mul3A_348 = vector.broadcast %mul3A_347 : f32 to vector<16xf32>
        %mul3A_349 = arith.mulf %get3A_346, %mul3A_348 : vector<16xf32>
        %swap3A_350 = arith.index_cast %scan3A_318 : i32 to index
        %swap3A_351 = arith.constant 32 : index
        %swap3A_352 = tpu.vector_load %arg7[%swap3A_350, %swap3A_351] {strides = array<i32>} : memref<128x64xf32, #tpu.memory_space<vmem>>, vector<1x16xf32>,
        %swap3A_353 = vector.shape_cast %swap3A_352 : vector<1x16xf32> to vector<16xf32>
        %swap3A_354 = vector.shape_cast %mul3A_349 : vector<16xf32> to vector<1x16xf32>
        tpu.vector_store %arg7[%swap3A_350, %swap3A_351], %swap3A_354 {strides = array<i32>} : memref<128x64xf32, #tpu.memory_space<vmem>>, vector<1x16xf32>,
        %get3A_355 = arith.index_cast %scan3A_318 : i32 to index
        %get3A_356 = arith.constant 48 : index
        %get3A_357 = tpu.vector_load %arg7[%get3A_355, %get3A_356] {strides = array<i32>} : memref<128x64xf32, #tpu.memory_space<vmem>>, vector<1x16xf32>,
        %get3A_358 = vector.shape_cast %get3A_357 : vector<1x16xf32> to vector<16xf32>
        %mul3A_359 = arith.constant 8.000000e+00 : f32
        %mul3A_360 = vector.broadcast %mul3A_359 : f32 to vector<16xf32>
        %mul3A_361 = arith.mulf %get3A_358, %mul3A_360 : vector<16xf32>
        %swap3A_362 = arith.index_cast %scan3A_318 : i32 to index
        %swap3A_363 = arith.constant 48 : index
        %swap3A_364 = tpu.vector_load %arg7[%swap3A_362, %swap3A_363] {strides = array<i32>} : memref<128x64xf32, #tpu.memory_space<vmem>>, vector<1x16xf32>,
        %swap3A_365 = vector.shape_cast %swap3A_364 : vector<1x16xf32> to vector<16xf32>
        %swap3A_366 = vector.shape_cast %mul3A_361 : vector<16xf32> to vector<1x16xf32>
        tpu.vector_store %arg7[%swap3A_362, %swap3A_363], %swap3A_366 {strides = array<i32>} : memref<128x64xf32, #tpu.memory_space<vmem>>, vector<1x16xf32>,
      }
      %scan3A_89 = arith.constant 128 : i32
      %mul3A_90 = arith.constant 128 : i32
      %mul3A_91 = arith.muli %add3A_77, %mul3A_90 : i32
      %add3A_92 = arith.addi %mul3A_2, %mul3A_91 : i32
      %dma_start3A_93 = arith.constant 0 : i32
      %dma_start3A_94 = tpu.memref_slice %arg4[%add3A_92, %dma_start3A_93] : memref<819200x64xf32, #tpu.memory_space<hbm>> -> memref<128x64xf32, #tpu.memory_space<hbm>>
      %dma_start3A_95 = arith.constant 0 : i32
      %dma_start3A_96 = tpu.memref_slice %arg4[%add3A_92, %dma_start3A_95] : memref<819200x64xf32, #tpu.memory_space<hbm>> -> memref<128x64xf32, #tpu.memory_space<hbm>>
      tpu.enqueue_dma source(%arg7 : memref<128x64xf32, #tpu.memory_space<vmem>>) target(%dma_start3A_96 : memref<128x64xf32, #tpu.memory_space<hbm>>) target_semaphore(%arg15 : memref<!tpu.dma_semaphore, #tpu.memory_space<semaphore_mem>>)
      %add3A_97 = arith.constant 4 : i32
      %add3A_98 = arith.addi %add3A_77, %add3A_97 : i32
      %sub3A_99 = arith.constant 1 : i32
      %sub3A_100 = arith.subi %add3A_98, %sub3A_99 : i32
      %lt3A_101 = arith.constant 200 : i32
      %lt3A_102 = arith.cmpi slt, %sub3A_100, %lt3A_101 : i32
      %convert_element_type3A_103 = arith.extui %lt3A_102 : i1 to i32
      %cond3A_104 = arith.constant 0 : i32
      %cond3A_105 = arith.cmpi ne, %convert_element_type3A_103, %cond3A_104 : i32
      scf.if %cond3A_105 {
        %ge3A = arith.constant 1 : i32
        %ge3A_170 = arith.cmpi sge, %add3A_77, %ge3A : i32
        %convert_element_type3A_171 = arith.extui %ge3A_170 : i1 to i32
        %cond3A_172 = arith.constant 0 : i32
        %cond3A_173 = arith.cmpi ne, %convert_element_type3A_171, %cond3A_172 : i32
        scf.if %cond3A_173 {
          %sub3A_180 = arith.constant 1 : i32
          %sub3A_181 = arith.subi %add3A_77, %sub3A_180 : i32
          %mul3A_182 = arith.constant 128 : i32
          %mul3A_183 = arith.muli %sub3A_181, %mul3A_182 : i32
          %add3A_184 = arith.addi %mul3A_2, %mul3A_183 : i32
          %dma_wait3A_185 = arith.constant 0 : i32
          %dma_wait3A_186 = tpu.memref_slice %arg4[%add3A_184, %dma_wait3A_185] : memref<819200x64xf32, #tpu.memory_space<hbm>> -> memref<128x64xf32, #tpu.memory_space<hbm>>
          %dma_wait3A_187 = arith.constant 0 : i32
          %dma_wait3A_188 = tpu.memref_slice %arg4[%add3A_184, %dma_wait3A_187] : memref<819200x64xf32, #tpu.memory_space<hbm>> -> memref<128x64xf32, #tpu.memory_space<hbm>>
          tpu.wait_dma2 semaphore(%arg14 : memref<!tpu.dma_semaphore, #tpu.memory_space<semaphore_mem>>) src(%arg6 : memref<128x64xf32, #tpu.memory_space<vmem>>) dst(%dma_wait3A_188 : memref<128x64xf32, #tpu.memory_space<hbm>>)
        } else {
        }
        %mul3A_174 = arith.constant 128 : i32
        %mul3A_175 = arith.muli %sub3A_100, %mul3A_174 : i32
        %dma_start3A_176 = tpu.memref_slice %arg5[%mul3A_175] : memref<25600xi32, #tpu.memory_space<vmem>> -> memref<128xi32, #tpu.memory_space<vmem>>
        %dma_start3A_177 = arith.constant 0 : i32
        %dma_start3A_178 = arith.constant 0 : i32
        %dma_start3A_179 = tpu.memref_slice %arg3[%dma_start3A_177, %dma_start3A_178] : memref<1000000x64xf32, #tpu.memory_space<hbm>> -> memref<1000000x64xf32, #tpu.memory_space<hbm>>
        tpu.enqueue_indirect_dma source(%dma_start3A_179 : memref<1000000x64xf32, #tpu.memory_space<hbm>>) target(%arg6 : memref<128x64xf32, #tpu.memory_space<vmem>>) offsets(%dma_start3A_176 : memref<128xi32, #tpu.memory_space<vmem>>) semaphore(%arg10 : memref<!tpu.dma_semaphore, #tpu.memory_space<semaphore_mem>>)
      } else {
      }
      %mul3A_106 = arith.constant 4 : i32
      %mul3A_107 = arith.muli %scan3A_45, %mul3A_106 : i32
      %add3A_108 = arith.constant 2 : i32
      %add3A_109 = arith.addi %mul3A_107, %add3A_108 : i32
      %mul3A_110 = arith.constant 128 : i32
      %mul3A_111 = arith.muli %add3A_109, %mul3A_110 : i32
      %dma_wait3A_112 = tpu.memref_slice %arg5[%mul3A_111] : memref<25600xi32, #tpu.memory_space<vmem>> -> memref<128xi32, #tpu.memory_space<vmem>>
      %dma_wait3A_113 = arith.constant 0 : i32
      %dma_wait3A_114 = arith.constant 0 : i32
      %dma_wait3A_115 = tpu.memref_slice %arg3[%dma_wait3A_113, %dma_wait3A_114] : memref<1000000x64xf32, #tpu.memory_space<hbm>> -> memref<1000000x64xf32, #tpu.memory_space<hbm>>
      tpu.wait_indirect_dma semaphore(%arg12 : memref<!tpu.dma_semaphore, #tpu.memory_space<semaphore_mem>>) src(%dma_wait3A_115 : memref<1000000x64xf32, #tpu.memory_space<hbm>>) dst(%arg8 : memref<128x64xf32, #tpu.memory_space<vmem>>)
      %scan3A_116 = arith.constant 0 : i32
      %scan3A_117 = arith.constant 0 : i32
      %scan3A_118 = arith.constant 128 : i32
      %scan3A_119 = arith.addi %scan3A_117, %scan3A_118 : i32
      %scan3A_120 = arith.constant 4 : i32
      scf.for %scan3A_170 = %scan3A_117 to %scan3A_119 step %scan3A_120  : i32 {
        %get3A = arith.index_cast %scan3A_170 : i32 to index
        %get3A_171 = arith.constant 0 : index
        %get3A_172 = tpu.vector_load %arg8[%get3A, %get3A_171] {strides = array<i32>} : memref<128x64xf32, #tpu.memory_space<vmem>>, vector<1x16xf32>,
        %get3A_173 = vector.shape_cast %get3A_172 : vector<1x16xf32> to vector<16xf32>
        %mul3A_174 = arith.constant 8.000000e+00 : f32
        %mul3A_175 = vector.broadcast %mul3A_174 : f32 to vector<16xf32>
        %mul3A_176 = arith.mulf %get3A_173, %mul3A_175 : vector<16xf32>
        %swap3A = arith.index_cast %scan3A_170 : i32 to index
        %swap3A_177 = arith.constant 0 : index
        %swap3A_178 = tpu.vector_load %arg8[%swap3A, %swap3A_177] {strides = array<i32>} : memref<128x64xf32, #tpu.memory_space<vmem>>, vector<1x16xf32>,
        %swap3A_179 = vector.shape_cast %swap3A_178 : vector<1x16xf32> to vector<16xf32>
        %swap3A_180 = vector.shape_cast %mul3A_176 : vector<16xf32> to vector<1x16xf32>
        tpu.vector_store %arg8[%swap3A, %swap3A_177], %swap3A_180 {strides = array<i32>} : memref<128x64xf32, #tpu.memory_space<vmem>>, vector<1x16xf32>,
        %get3A_181 = arith.index_cast %scan3A_170 : i32 to index
        %get3A_182 = arith.constant 16 : index
        %get3A_183 = tpu.vector_load %arg8[%get3A_181, %get3A_182] {strides = array<i32>} : memref<128x64xf32, #tpu.memory_space<vmem>>, vector<1x16xf32>,
        %get3A_184 = vector.shape_cast %get3A_183 : vector<1x16xf32> to vector<16xf32>
        %mul3A_185 = arith.constant 8.000000e+00 : f32
        %mul3A_186 = vector.broadcast %mul3A_185 : f32 to vector<16xf32>
        %mul3A_187 = arith.mulf %get3A_184, %mul3A_186 : vector<16xf32>
        %swap3A_188 = arith.index_cast %scan3A_170 : i32 to index
        %swap3A_189 = arith.constant 16 : index
        %swap3A_190 = tpu.vector_load %arg8[%swap3A_188, %swap3A_189] {strides = array<i32>} : memref<128x64xf32, #tpu.memory_space<vmem>>, vector<1x16xf32>,
        %swap3A_191 = vector.shape_cast %swap3A_190 : vector<1x16xf32> to vector<16xf32>
        %swap3A_192 = vector.shape_cast %mul3A_187 : vector<16xf32> to vector<1x16xf32>
        tpu.vector_store %arg8[%swap3A_188, %swap3A_189], %swap3A_192 {strides = array<i32>} : memref<128x64xf32, #tpu.memory_space<vmem>>, vector<1x16xf32>,
        %get3A_193 = arith.index_cast %scan3A_170 : i32 to index
        %get3A_194 = arith.constant 32 : index
        %get3A_195 = tpu.vector_load %arg8[%get3A_193, %get3A_194] {strides = array<i32>} : memref<128x64xf32, #tpu.memory_space<vmem>>, vector<1x16xf32>,
        %get3A_196 = vector.shape_cast %get3A_195 : vector<1x16xf32> to vector<16xf32>
        %mul3A_197 = arith.constant 8.000000e+00 : f32
        %mul3A_198 = vector.broadcast %mul3A_197 : f32 to vector<16xf32>
        %mul3A_199 = arith.mulf %get3A_196, %mul3A_198 : vector<16xf32>
        %swap3A_200 = arith.index_cast %scan3A_170 : i32 to index
        %swap3A_201 = arith.constant 32 : index
        %swap3A_202 = tpu.vector_load %arg8[%swap3A_200, %swap3A_201] {strides = array<i32>} : memref<128x64xf32, #tpu.memory_space<vmem>>, vector<1x16xf32>,
        %swap3A_203 = vector.shape_cast %swap3A_202 : vector<1x16xf32> to vector<16xf32>
        %swap3A_204 = vector.shape_cast %mul3A_199 : vector<16xf32> to vector<1x16xf32>
        tpu.vector_store %arg8[%swap3A_200, %swap3A_201], %swap3A_204 {strides = array<i32>} : memref<128x64xf32, #tpu.memory_space<vmem>>, vector<1x16xf32>,
        %get3A_205 = arith.index_cast %scan3A_170 : i32 to index
        %get3A_206 = arith.constant 48 : index
        %get3A_207 = tpu.vector_load %arg8[%get3A_205, %get3A_206] {strides = array<i32>} : memref<128x64xf32, #tpu.memory_space<vmem>>, vector<1x16xf32>,
        %get3A_208 = vector.shape_cast %get3A_207 : vector<1x16xf32> to vector<16xf32>
        %mul3A_209 = arith.constant 8.000000e+00 : f32
        %mul3A_210 = vector.broadcast %mul3A_209 : f32 to vector<16xf32>
        %mul3A_211 = arith.mulf %get3A_208, %mul3A_210 : vector<16xf32>
        %swap3A_212 = arith.index_cast %scan3A_170 : i32 to index
        %swap3A_213 = arith.constant 48 : index
        %swap3A_214 = tpu.vector_load %arg8[%swap3A_212, %swap3A_213] {strides = array<i32>} : memref<128x64xf32, #tpu.memory_space<vmem>>, vector<1x16xf32>,
        %swap3A_215 = vector.shape_cast %swap3A_214 : vector<1x16xf32> to vector<16xf32>
        %swap3A_216 = vector.shape_cast %mul3A_211 : vector<16xf32> to vector<1x16xf32>
        tpu.vector_store %arg8[%swap3A_212, %swap3A_213], %swap3A_216 {strides = array<i32>} : memref<128x64xf32, #tpu.memory_space<vmem>>, vector<1x16xf32>,
        %scan3A_217 = arith.constant 1 : i32
        %scan3A_218 = arith.addi %scan3A_170, %scan3A_217 : i32
        %get3A_219 = arith.index_cast %scan3A_218 : i32 to index
        %get3A_220 = arith.constant 0 : index
        %get3A_221 = tpu.vector_load %arg8[%get3A_219, %get3A_220] {strides = array<i32>} : memref<128x64xf32, #tpu.memory_space<vmem>>, vector<1x16xf32>,
        %get3A_222 = vector.shape_cast %get3A_221 : vector<1x16xf32> to vector<16xf32>
        %mul3A_223 = arith.constant 8.000000e+00 : f32
        %mul3A_224 = vector.broadcast %mul3A_223 : f32 to vector<16xf32>
        %mul3A_225 = arith.mulf %get3A_222, %mul3A_224 : vector<16xf32>
        %swap3A_226 = arith.index_cast %scan3A_218 : i32 to index
        %swap3A_227 = arith.constant 0 : index
        %swap3A_228 = tpu.vector_load %arg8[%swap3A_226, %swap3A_227] {strides = array<i32>} : memref<128x64xf32, #tpu.memory_space<vmem>>, vector<1x16xf32>,
        %swap3A_229 = vector.shape_cast %swap3A_228 : vector<1x16xf32> to vector<16xf32>
        %swap3A_230 = vector.shape_cast %mul3A_225 : vector<16xf32> to vector<1x16xf32>
        tpu.vector_store %arg8[%swap3A_226, %swap3A_227], %swap3A_230 {strides = array<i32>} : memref<128x64xf32, #tpu.memory_space<vmem>>, vector<1x16xf32>,
        %get3A_231 = arith.index_cast %scan3A_218 : i32 to index
        %get3A_232 = arith.constant 16 : index
        %get3A_233 = tpu.vector_load %arg8[%get3A_231, %get3A_232] {strides = array<i32>} : memref<128x64xf32, #tpu.memory_space<vmem>>, vector<1x16xf32>,
        %get3A_234 = vector.shape_cast %get3A_233 : vector<1x16xf32> to vector<16xf32>
        %mul3A_235 = arith.constant 8.000000e+00 : f32
        %mul3A_236 = vector.broadcast %mul3A_235 : f32 to vector<16xf32>
        %mul3A_237 = arith.mulf %get3A_234, %mul3A_236 : vector<16xf32>
        %swap3A_238 = arith.index_cast %scan3A_218 : i32 to index
        %swap3A_239 = arith.constant 16 : index
        %swap3A_240 = tpu.vector_load %arg8[%swap3A_238, %swap3A_239] {strides = array<i32>} : memref<128x64xf32, #tpu.memory_space<vmem>>, vector<1x16xf32>,
        %swap3A_241 = vector.shape_cast %swap3A_240 : vector<1x16xf32> to vector<16xf32>
        %swap3A_242 = vector.shape_cast %mul3A_237 : vector<16xf32> to vector<1x16xf32>
        tpu.vector_store %arg8[%swap3A_238, %swap3A_239], %swap3A_242 {strides = array<i32>} : memref<128x64xf32, #tpu.memory_space<vmem>>, vector<1x16xf32>,
        %get3A_243 = arith.index_cast %scan3A_218 : i32 to index
        %get3A_244 = arith.constant 32 : index
        %get3A_245 = tpu.vector_load %arg8[%get3A_243, %get3A_244] {strides = array<i32>} : memref<128x64xf32, #tpu.memory_space<vmem>>, vector<1x16xf32>,
        %get3A_246 = vector.shape_cast %get3A_245 : vector<1x16xf32> to vector<16xf32>
        %mul3A_247 = arith.constant 8.000000e+00 : f32
        %mul3A_248 = vector.broadcast %mul3A_247 : f32 to vector<16xf32>
        %mul3A_249 = arith.mulf %get3A_246, %mul3A_248 : vector<16xf32>
        %swap3A_250 = arith.index_cast %scan3A_218 : i32 to index
        %swap3A_251 = arith.constant 32 : index
        %swap3A_252 = tpu.vector_load %arg8[%swap3A_250, %swap3A_251] {strides = array<i32>} : memref<128x64xf32, #tpu.memory_space<vmem>>, vector<1x16xf32>,
        %swap3A_253 = vector.shape_cast %swap3A_252 : vector<1x16xf32> to vector<16xf32>
        %swap3A_254 = vector.shape_cast %mul3A_249 : vector<16xf32> to vector<1x16xf32>
        tpu.vector_store %arg8[%swap3A_250, %swap3A_251], %swap3A_254 {strides = array<i32>} : memref<128x64xf32, #tpu.memory_space<vmem>>, vector<1x16xf32>,
        %get3A_255 = arith.index_cast %scan3A_218 : i32 to index
        %get3A_256 = arith.constant 48 : index
        %get3A_257 = tpu.vector_load %arg8[%get3A_255, %get3A_256] {strides = array<i32>} : memref<128x64xf32, #tpu.memory_space<vmem>>, vector<1x16xf32>,
        %get3A_258 = vector.shape_cast %get3A_257 : vector<1x16xf32> to vector<16xf32>
        %mul3A_259 = arith.constant 8.000000e+00 : f32
        %mul3A_260 = vector.broadcast %mul3A_259 : f32 to vector<16xf32>
        %mul3A_261 = arith.mulf %get3A_258, %mul3A_260 : vector<16xf32>
        %swap3A_262 = arith.index_cast %scan3A_218 : i32 to index
        %swap3A_263 = arith.constant 48 : index
        %swap3A_264 = tpu.vector_load %arg8[%swap3A_262, %swap3A_263] {strides = array<i32>} : memref<128x64xf32, #tpu.memory_space<vmem>>, vector<1x16xf32>,
        %swap3A_265 = vector.shape_cast %swap3A_264 : vector<1x16xf32> to vector<16xf32>
        %swap3A_266 = vector.shape_cast %mul3A_261 : vector<16xf32> to vector<1x16xf32>
        tpu.vector_store %arg8[%swap3A_262, %swap3A_263], %swap3A_266 {strides = array<i32>} : memref<128x64xf32, #tpu.memory_space<vmem>>, vector<1x16xf32>,
        %scan3A_267 = arith.constant 2 : i32
        %scan3A_268 = arith.addi %scan3A_170, %scan3A_267 : i32
        %get3A_269 = arith.index_cast %scan3A_268 : i32 to index
        %get3A_270 = arith.constant 0 : index
        %get3A_271 = tpu.vector_load %arg8[%get3A_269, %get3A_270] {strides = array<i32>} : memref<128x64xf32, #tpu.memory_space<vmem>>, vector<1x16xf32>,
        %get3A_272 = vector.shape_cast %get3A_271 : vector<1x16xf32> to vector<16xf32>
        %mul3A_273 = arith.constant 8.000000e+00 : f32
        %mul3A_274 = vector.broadcast %mul3A_273 : f32 to vector<16xf32>
        %mul3A_275 = arith.mulf %get3A_272, %mul3A_274 : vector<16xf32>
        %swap3A_276 = arith.index_cast %scan3A_268 : i32 to index
        %swap3A_277 = arith.constant 0 : index
        %swap3A_278 = tpu.vector_load %arg8[%swap3A_276, %swap3A_277] {strides = array<i32>} : memref<128x64xf32, #tpu.memory_space<vmem>>, vector<1x16xf32>,
        %swap3A_279 = vector.shape_cast %swap3A_278 : vector<1x16xf32> to vector<16xf32>
        %swap3A_280 = vector.shape_cast %mul3A_275 : vector<16xf32> to vector<1x16xf32>
        tpu.vector_store %arg8[%swap3A_276, %swap3A_277], %swap3A_280 {strides = array<i32>} : memref<128x64xf32, #tpu.memory_space<vmem>>, vector<1x16xf32>,
        %get3A_281 = arith.index_cast %scan3A_268 : i32 to index
        %get3A_282 = arith.constant 16 : index
        %get3A_283 = tpu.vector_load %arg8[%get3A_281, %get3A_282] {strides = array<i32>} : memref<128x64xf32, #tpu.memory_space<vmem>>, vector<1x16xf32>,
        %get3A_284 = vector.shape_cast %get3A_283 : vector<1x16xf32> to vector<16xf32>
        %mul3A_285 = arith.constant 8.000000e+00 : f32
        %mul3A_286 = vector.broadcast %mul3A_285 : f32 to vector<16xf32>
        %mul3A_287 = arith.mulf %get3A_284, %mul3A_286 : vector<16xf32>
        %swap3A_288 = arith.index_cast %scan3A_268 : i32 to index
        %swap3A_289 = arith.constant 16 : index
        %swap3A_290 = tpu.vector_load %arg8[%swap3A_288, %swap3A_289] {strides = array<i32>} : memref<128x64xf32, #tpu.memory_space<vmem>>, vector<1x16xf32>,
        %swap3A_291 = vector.shape_cast %swap3A_290 : vector<1x16xf32> to vector<16xf32>
        %swap3A_292 = vector.shape_cast %mul3A_287 : vector<16xf32> to vector<1x16xf32>
        tpu.vector_store %arg8[%swap3A_288, %swap3A_289], %swap3A_292 {strides = array<i32>} : memref<128x64xf32, #tpu.memory_space<vmem>>, vector<1x16xf32>,
        %get3A_293 = arith.index_cast %scan3A_268 : i32 to index
        %get3A_294 = arith.constant 32 : index
        %get3A_295 = tpu.vector_load %arg8[%get3A_293, %get3A_294] {strides = array<i32>} : memref<128x64xf32, #tpu.memory_space<vmem>>, vector<1x16xf32>,
        %get3A_296 = vector.shape_cast %get3A_295 : vector<1x16xf32> to vector<16xf32>
        %mul3A_297 = arith.constant 8.000000e+00 : f32
        %mul3A_298 = vector.broadcast %mul3A_297 : f32 to vector<16xf32>
        %mul3A_299 = arith.mulf %get3A_296, %mul3A_298 : vector<16xf32>
        %swap3A_300 = arith.index_cast %scan3A_268 : i32 to index
        %swap3A_301 = arith.constant 32 : index
        %swap3A_302 = tpu.vector_load %arg8[%swap3A_300, %swap3A_301] {strides = array<i32>} : memref<128x64xf32, #tpu.memory_space<vmem>>, vector<1x16xf32>,
        %swap3A_303 = vector.shape_cast %swap3A_302 : vector<1x16xf32> to vector<16xf32>
        %swap3A_304 = vector.shape_cast %mul3A_299 : vector<16xf32> to vector<1x16xf32>
        tpu.vector_store %arg8[%swap3A_300, %swap3A_301], %swap3A_304 {strides = array<i32>} : memref<128x64xf32, #tpu.memory_space<vmem>>, vector<1x16xf32>,
        %get3A_305 = arith.index_cast %scan3A_268 : i32 to index
        %get3A_306 = arith.constant 48 : index
        %get3A_307 = tpu.vector_load %arg8[%get3A_305, %get3A_306] {strides = array<i32>} : memref<128x64xf32, #tpu.memory_space<vmem>>, vector<1x16xf32>,
        %get3A_308 = vector.shape_cast %get3A_307 : vector<1x16xf32> to vector<16xf32>
        %mul3A_309 = arith.constant 8.000000e+00 : f32
        %mul3A_310 = vector.broadcast %mul3A_309 : f32 to vector<16xf32>
        %mul3A_311 = arith.mulf %get3A_308, %mul3A_310 : vector<16xf32>
        %swap3A_312 = arith.index_cast %scan3A_268 : i32 to index
        %swap3A_313 = arith.constant 48 : index
        %swap3A_314 = tpu.vector_load %arg8[%swap3A_312, %swap3A_313] {strides = array<i32>} : memref<128x64xf32, #tpu.memory_space<vmem>>, vector<1x16xf32>,
        %swap3A_315 = vector.shape_cast %swap3A_314 : vector<1x16xf32> to vector<16xf32>
        %swap3A_316 = vector.shape_cast %mul3A_311 : vector<16xf32> to vector<1x16xf32>
        tpu.vector_store %arg8[%swap3A_312, %swap3A_313], %swap3A_316 {strides = array<i32>} : memref<128x64xf32, #tpu.memory_space<vmem>>, vector<1x16xf32>,
        %scan3A_317 = arith.constant 3 : i32
        %scan3A_318 = arith.addi %scan3A_170, %scan3A_317 : i32
        %get3A_319 = arith.index_cast %scan3A_318 : i32 to index
        %get3A_320 = arith.constant 0 : index
        %get3A_321 = tpu.vector_load %arg8[%get3A_319, %get3A_320] {strides = array<i32>} : memref<128x64xf32, #tpu.memory_space<vmem>>, vector<1x16xf32>,
        %get3A_322 = vector.shape_cast %get3A_321 : vector<1x16xf32> to vector<16xf32>
        %mul3A_323 = arith.constant 8.000000e+00 : f32
        %mul3A_324 = vector.broadcast %mul3A_323 : f32 to vector<16xf32>
        %mul3A_325 = arith.mulf %get3A_322, %mul3A_324 : vector<16xf32>
        %swap3A_326 = arith.index_cast %scan3A_318 : i32 to index
        %swap3A_327 = arith.constant 0 : index
        %swap3A_328 = tpu.vector_load %arg8[%swap3A_326, %swap3A_327] {strides = array<i32>} : memref<128x64xf32, #tpu.memory_space<vmem>>, vector<1x16xf32>,
        %swap3A_329 = vector.shape_cast %swap3A_328 : vector<1x16xf32> to vector<16xf32>
        %swap3A_330 = vector.shape_cast %mul3A_325 : vector<16xf32> to vector<1x16xf32>
        tpu.vector_store %arg8[%swap3A_326, %swap3A_327], %swap3A_330 {strides = array<i32>} : memref<128x64xf32, #tpu.memory_space<vmem>>, vector<1x16xf32>,
        %get3A_331 = arith.index_cast %scan3A_318 : i32 to index
        %get3A_332 = arith.constant 16 : index
        %get3A_333 = tpu.vector_load %arg8[%get3A_331, %get3A_332] {strides = array<i32>} : memref<128x64xf32, #tpu.memory_space<vmem>>, vector<1x16xf32>,
        %get3A_334 = vector.shape_cast %get3A_333 : vector<1x16xf32> to vector<16xf32>
        %mul3A_335 = arith.constant 8.000000e+00 : f32
        %mul3A_336 = vector.broadcast %mul3A_335 : f32 to vector<16xf32>
        %mul3A_337 = arith.mulf %get3A_334, %mul3A_336 : vector<16xf32>
        %swap3A_338 = arith.index_cast %scan3A_318 : i32 to index
        %swap3A_339 = arith.constant 16 : index
        %swap3A_340 = tpu.vector_load %arg8[%swap3A_338, %swap3A_339] {strides = array<i32>} : memref<128x64xf32, #tpu.memory_space<vmem>>, vector<1x16xf32>,
        %swap3A_341 = vector.shape_cast %swap3A_340 : vector<1x16xf32> to vector<16xf32>
        %swap3A_342 = vector.shape_cast %mul3A_337 : vector<16xf32> to vector<1x16xf32>
        tpu.vector_store %arg8[%swap3A_338, %swap3A_339], %swap3A_342 {strides = array<i32>} : memref<128x64xf32, #tpu.memory_space<vmem>>, vector<1x16xf32>,
        %get3A_343 = arith.index_cast %scan3A_318 : i32 to index
        %get3A_344 = arith.constant 32 : index
        %get3A_345 = tpu.vector_load %arg8[%get3A_343, %get3A_344] {strides = array<i32>} : memref<128x64xf32, #tpu.memory_space<vmem>>, vector<1x16xf32>,
        %get3A_346 = vector.shape_cast %get3A_345 : vector<1x16xf32> to vector<16xf32>
        %mul3A_347 = arith.constant 8.000000e+00 : f32
        %mul3A_348 = vector.broadcast %mul3A_347 : f32 to vector<16xf32>
        %mul3A_349 = arith.mulf %get3A_346, %mul3A_348 : vector<16xf32>
        %swap3A_350 = arith.index_cast %scan3A_318 : i32 to index
        %swap3A_351 = arith.constant 32 : index
        %swap3A_352 = tpu.vector_load %arg8[%swap3A_350, %swap3A_351] {strides = array<i32>} : memref<128x64xf32, #tpu.memory_space<vmem>>, vector<1x16xf32>,
        %swap3A_353 = vector.shape_cast %swap3A_352 : vector<1x16xf32> to vector<16xf32>
        %swap3A_354 = vector.shape_cast %mul3A_349 : vector<16xf32> to vector<1x16xf32>
        tpu.vector_store %arg8[%swap3A_350, %swap3A_351], %swap3A_354 {strides = array<i32>} : memref<128x64xf32, #tpu.memory_space<vmem>>, vector<1x16xf32>,
        %get3A_355 = arith.index_cast %scan3A_318 : i32 to index
        %get3A_356 = arith.constant 48 : index
        %get3A_357 = tpu.vector_load %arg8[%get3A_355, %get3A_356] {strides = array<i32>} : memref<128x64xf32, #tpu.memory_space<vmem>>, vector<1x16xf32>,
        %get3A_358 = vector.shape_cast %get3A_357 : vector<1x16xf32> to vector<16xf32>
        %mul3A_359 = arith.constant 8.000000e+00 : f32
        %mul3A_360 = vector.broadcast %mul3A_359 : f32 to vector<16xf32>
        %mul3A_361 = arith.mulf %get3A_358, %mul3A_360 : vector<16xf32>
        %swap3A_362 = arith.index_cast %scan3A_318 : i32 to index
        %swap3A_363 = arith.constant 48 : index
        %swap3A_364 = tpu.vector_load %arg8[%swap3A_362, %swap3A_363] {strides = array<i32>} : memref<128x64xf32, #tpu.memory_space<vmem>>, vector<1x16xf32>,
        %swap3A_365 = vector.shape_cast %swap3A_364 : vector<1x16xf32> to vector<16xf32>
        %swap3A_366 = vector.shape_cast %mul3A_361 : vector<16xf32> to vector<1x16xf32>
        tpu.vector_store %arg8[%swap3A_362, %swap3A_363], %swap3A_366 {strides = array<i32>} : memref<128x64xf32, #tpu.memory_space<vmem>>, vector<1x16xf32>,
      }
      %scan3A_121 = arith.constant 128 : i32
      %mul3A_122 = arith.constant 128 : i32
      %mul3A_123 = arith.muli %add3A_109, %mul3A_122 : i32
      %add3A_124 = arith.addi %mul3A_2, %mul3A_123 : i32
      %dma_start3A_125 = arith.constant 0 : i32
      %dma_start3A_126 = tpu.memref_slice %arg4[%add3A_124, %dma_start3A_125] : memref<819200x64xf32, #tpu.memory_space<hbm>> -> memref<128x64xf32, #tpu.memory_space<hbm>>
      %dma_start3A_127 = arith.constant 0 : i32
      %dma_start3A_128 = tpu.memref_slice %arg4[%add3A_124, %dma_start3A_127] : memref<819200x64xf32, #tpu.memory_space<hbm>> -> memref<128x64xf32, #tpu.memory_space<hbm>>
      tpu.enqueue_dma source(%arg8 : memref<128x64xf32, #tpu.memory_space<vmem>>) target(%dma_start3A_128 : memref<128x64xf32, #tpu.memory_space<hbm>>) target_semaphore(%arg16 : memref<!tpu.dma_semaphore, #tpu.memory_space<semaphore_mem>>)
      %add3A_129 = arith.constant 4 : i32
      %add3A_130 = arith.addi %add3A_109, %add3A_129 : i32
      %sub3A_131 = arith.constant 1 : i32
      %sub3A_132 = arith.subi %add3A_130, %sub3A_131 : i32
      %lt3A_133 = arith.constant 200 : i32
      %lt3A_134 = arith.cmpi slt, %sub3A_132, %lt3A_133 : i32
      %convert_element_type3A_135 = arith.extui %lt3A_134 : i1 to i32
      %cond3A_136 = arith.constant 0 : i32
      %cond3A_137 = arith.cmpi ne, %convert_element_type3A_135, %cond3A_136 : i32
      scf.if %cond3A_137 {
        %ge3A = arith.constant 1 : i32
        %ge3A_170 = arith.cmpi sge, %add3A_109, %ge3A : i32
        %convert_element_type3A_171 = arith.extui %ge3A_170 : i1 to i32
        %cond3A_172 = arith.constant 0 : i32
        %cond3A_173 = arith.cmpi ne, %convert_element_type3A_171, %cond3A_172 : i32
        scf.if %cond3A_173 {
          %sub3A_180 = arith.constant 1 : i32
          %sub3A_181 = arith.subi %add3A_109, %sub3A_180 : i32
          %mul3A_182 = arith.constant 128 : i32
          %mul3A_183 = arith.muli %sub3A_181, %mul3A_182 : i32
          %add3A_184 = arith.addi %mul3A_2, %mul3A_183 : i32
          %dma_wait3A_185 = arith.constant 0 : i32
          %dma_wait3A_186 = tpu.memref_slice %arg4[%add3A_184, %dma_wait3A_185] : memref<819200x64xf32, #tpu.memory_space<hbm>> -> memref<128x64xf32, #tpu.memory_space<hbm>>
          %dma_wait3A_187 = arith.constant 0 : i32
          %dma_wait3A_188 = tpu.memref_slice %arg4[%add3A_184, %dma_wait3A_187] : memref<819200x64xf32, #tpu.memory_space<hbm>> -> memref<128x64xf32, #tpu.memory_space<hbm>>
          tpu.wait_dma2 semaphore(%arg15 : memref<!tpu.dma_semaphore, #tpu.memory_space<semaphore_mem>>) src(%arg7 : memref<128x64xf32, #tpu.memory_space<vmem>>) dst(%dma_wait3A_188 : memref<128x64xf32, #tpu.memory_space<hbm>>)
        } else {
        }
        %mul3A_174 = arith.constant 128 : i32
        %mul3A_175 = arith.muli %sub3A_132, %mul3A_174 : i32
        %dma_start3A_176 = tpu.memref_slice %arg5[%mul3A_175] : memref<25600xi32, #tpu.memory_space<vmem>> -> memref<128xi32, #tpu.memory_space<vmem>>
        %dma_start3A_177 = arith.constant 0 : i32
        %dma_start3A_178 = arith.constant 0 : i32
        %dma_start3A_179 = tpu.memref_slice %arg3[%dma_start3A_177, %dma_start3A_178] : memref<1000000x64xf32, #tpu.memory_space<hbm>> -> memref<1000000x64xf32, #tpu.memory_space<hbm>>
        tpu.enqueue_indirect_dma source(%dma_start3A_179 : memref<1000000x64xf32, #tpu.memory_space<hbm>>) target(%arg7 : memref<128x64xf32, #tpu.memory_space<vmem>>) offsets(%dma_start3A_176 : memref<128xi32, #tpu.memory_space<vmem>>) semaphore(%arg11 : memref<!tpu.dma_semaphore, #tpu.memory_space<semaphore_mem>>)
      } else {
      }
      %mul3A_138 = arith.constant 4 : i32
      %mul3A_139 = arith.muli %scan3A_45, %mul3A_138 : i32
      %add3A_140 = arith.constant 3 : i32
      %add3A_141 = arith.addi %mul3A_139, %add3A_140 : i32
      %mul3A_142 = arith.constant 128 : i32
      %mul3A_143 = arith.muli %add3A_141, %mul3A_142 : i32
      %dma_wait3A_144 = tpu.memref_slice %arg5[%mul3A_143] : memref<25600xi32, #tpu.memory_space<vmem>> -> memref<128xi32, #tpu.memory_space<vmem>>
      %dma_wait3A_145 = arith.constant 0 : i32
      %dma_wait3A_146 = arith.constant 0 : i32
      %dma_wait3A_147 = tpu.memref_slice %arg3[%dma_wait3A_145, %dma_wait3A_146] : memref<1000000x64xf32, #tpu.memory_space<hbm>> -> memref<1000000x64xf32, #tpu.memory_space<hbm>>
      tpu.wait_indirect_dma semaphore(%arg13 : memref<!tpu.dma_semaphore, #tpu.memory_space<semaphore_mem>>) src(%dma_wait3A_147 : memref<1000000x64xf32, #tpu.memory_space<hbm>>) dst(%arg9 : memref<128x64xf32, #tpu.memory_space<vmem>>)
      %scan3A_148 = arith.constant 0 : i32
      %scan3A_149 = arith.constant 0 : i32
      %scan3A_150 = arith.constant 128 : i32
      %scan3A_151 = arith.addi %scan3A_149, %scan3A_150 : i32
      %scan3A_152 = arith.constant 4 : i32
      scf.for %scan3A_170 = %scan3A_149 to %scan3A_151 step %scan3A_152  : i32 {
        %get3A = arith.index_cast %scan3A_170 : i32 to index
        %get3A_171 = arith.constant 0 : index
        %get3A_172 = tpu.vector_load %arg9[%get3A, %get3A_171] {strides = array<i32>} : memref<128x64xf32, #tpu.memory_space<vmem>>, vector<1x16xf32>,
        %get3A_173 = vector.shape_cast %get3A_172 : vector<1x16xf32> to vector<16xf32>
        %mul3A_174 = arith.constant 8.000000e+00 : f32
        %mul3A_175 = vector.broadcast %mul3A_174 : f32 to vector<16xf32>
        %mul3A_176 = arith.mulf %get3A_173, %mul3A_175 : vector<16xf32>
        %swap3A = arith.index_cast %scan3A_170 : i32 to index
        %swap3A_177 = arith.constant 0 : index
        %swap3A_178 = tpu.vector_load %arg9[%swap3A, %swap3A_177] {strides = array<i32>} : memref<128x64xf32, #tpu.memory_space<vmem>>, vector<1x16xf32>,
        %swap3A_179 = vector.shape_cast %swap3A_178 : vector<1x16xf32> to vector<16xf32>
        %swap3A_180 = vector.shape_cast %mul3A_176 : vector<16xf32> to vector<1x16xf32>
        tpu.vector_store %arg9[%swap3A, %swap3A_177], %swap3A_180 {strides = array<i32>} : memref<128x64xf32, #tpu.memory_space<vmem>>, vector<1x16xf32>,
        %get3A_181 = arith.index_cast %scan3A_170 : i32 to index
        %get3A_182 = arith.constant 16 : index
        %get3A_183 = tpu.vector_load %arg9[%get3A_181, %get3A_182] {strides = array<i32>} : memref<128x64xf32, #tpu.memory_space<vmem>>, vector<1x16xf32>,
        %get3A_184 = vector.shape_cast %get3A_183 : vector<1x16xf32> to vector<16xf32>
        %mul3A_185 = arith.constant 8.000000e+00 : f32
        %mul3A_186 = vector.broadcast %mul3A_185 : f32 to vector<16xf32>
        %mul3A_187 = arith.mulf %get3A_184, %mul3A_186 : vector<16xf32>
        %swap3A_188 = arith.index_cast %scan3A_170 : i32 to index
        %swap3A_189 = arith.constant 16 : index
        %swap3A_190 = tpu.vector_load %arg9[%swap3A_188, %swap3A_189] {strides = array<i32>} : memref<128x64xf32, #tpu.memory_space<vmem>>, vector<1x16xf32>,
        %swap3A_191 = vector.shape_cast %swap3A_190 : vector<1x16xf32> to vector<16xf32>
        %swap3A_192 = vector.shape_cast %mul3A_187 : vector<16xf32> to vector<1x16xf32>
        tpu.vector_store %arg9[%swap3A_188, %swap3A_189], %swap3A_192 {strides = array<i32>} : memref<128x64xf32, #tpu.memory_space<vmem>>, vector<1x16xf32>,
        %get3A_193 = arith.index_cast %scan3A_170 : i32 to index
        %get3A_194 = arith.constant 32 : index
        %get3A_195 = tpu.vector_load %arg9[%get3A_193, %get3A_194] {strides = array<i32>} : memref<128x64xf32, #tpu.memory_space<vmem>>, vector<1x16xf32>,
        %get3A_196 = vector.shape_cast %get3A_195 : vector<1x16xf32> to vector<16xf32>
        %mul3A_197 = arith.constant 8.000000e+00 : f32
        %mul3A_198 = vector.broadcast %mul3A_197 : f32 to vector<16xf32>
        %mul3A_199 = arith.mulf %get3A_196, %mul3A_198 : vector<16xf32>
        %swap3A_200 = arith.index_cast %scan3A_170 : i32 to index
        %swap3A_201 = arith.constant 32 : index
        %swap3A_202 = tpu.vector_load %arg9[%swap3A_200, %swap3A_201] {strides = array<i32>} : memref<128x64xf32, #tpu.memory_space<vmem>>, vector<1x16xf32>,
        %swap3A_203 = vector.shape_cast %swap3A_202 : vector<1x16xf32> to vector<16xf32>
        %swap3A_204 = vector.shape_cast %mul3A_199 : vector<16xf32> to vector<1x16xf32>
        tpu.vector_store %arg9[%swap3A_200, %swap3A_201], %swap3A_204 {strides = array<i32>} : memref<128x64xf32, #tpu.memory_space<vmem>>, vector<1x16xf32>,
        %get3A_205 = arith.index_cast %scan3A_170 : i32 to index
        %get3A_206 = arith.constant 48 : index
        %get3A_207 = tpu.vector_load %arg9[%get3A_205, %get3A_206] {strides = array<i32>} : memref<128x64xf32, #tpu.memory_space<vmem>>, vector<1x16xf32>,
        %get3A_208 = vector.shape_cast %get3A_207 : vector<1x16xf32> to vector<16xf32>
        %mul3A_209 = arith.constant 8.000000e+00 : f32
        %mul3A_210 = vector.broadcast %mul3A_209 : f32 to vector<16xf32>
        %mul3A_211 = arith.mulf %get3A_208, %mul3A_210 : vector<16xf32>
        %swap3A_212 = arith.index_cast %scan3A_170 : i32 to index
        %swap3A_213 = arith.constant 48 : index
        %swap3A_214 = tpu.vector_load %arg9[%swap3A_212, %swap3A_213] {strides = array<i32>} : memref<128x64xf32, #tpu.memory_space<vmem>>, vector<1x16xf32>,
        %swap3A_215 = vector.shape_cast %swap3A_214 : vector<1x16xf32> to vector<16xf32>
        %swap3A_216 = vector.shape_cast %mul3A_211 : vector<16xf32> to vector<1x16xf32>
        tpu.vector_store %arg9[%swap3A_212, %swap3A_213], %swap3A_216 {strides = array<i32>} : memref<128x64xf32, #tpu.memory_space<vmem>>, vector<1x16xf32>,
        %scan3A_217 = arith.constant 1 : i32
        %scan3A_218 = arith.addi %scan3A_170, %scan3A_217 : i32
        %get3A_219 = arith.index_cast %scan3A_218 : i32 to index
        %get3A_220 = arith.constant 0 : index
        %get3A_221 = tpu.vector_load %arg9[%get3A_219, %get3A_220] {strides = array<i32>} : memref<128x64xf32, #tpu.memory_space<vmem>>, vector<1x16xf32>,
        %get3A_222 = vector.shape_cast %get3A_221 : vector<1x16xf32> to vector<16xf32>
        %mul3A_223 = arith.constant 8.000000e+00 : f32
        %mul3A_224 = vector.broadcast %mul3A_223 : f32 to vector<16xf32>
        %mul3A_225 = arith.mulf %get3A_222, %mul3A_224 : vector<16xf32>
        %swap3A_226 = arith.index_cast %scan3A_218 : i32 to index
        %swap3A_227 = arith.constant 0 : index
        %swap3A_228 = tpu.vector_load %arg9[%swap3A_226, %swap3A_227] {strides = array<i32>} : memref<128x64xf32, #tpu.memory_space<vmem>>, vector<1x16xf32>,
        %swap3A_229 = vector.shape_cast %swap3A_228 : vector<1x16xf32> to vector<16xf32>
        %swap3A_230 = vector.shape_cast %mul3A_225 : vector<16xf32> to vector<1x16xf32>
        tpu.vector_store %arg9[%swap3A_226, %swap3A_227], %swap3A_230 {strides = array<i32>} : memref<128x64xf32, #tpu.memory_space<vmem>>, vector<1x16xf32>,
        %get3A_231 = arith.index_cast %scan3A_218 : i32 to index
        %get3A_232 = arith.constant 16 : index
        %get3A_233 = tpu.vector_load %arg9[%get3A_231, %get3A_232] {strides = array<i32>} : memref<128x64xf32, #tpu.memory_space<vmem>>, vector<1x16xf32>,
        %get3A_234 = vector.shape_cast %get3A_233 : vector<1x16xf32> to vector<16xf32>
        %mul3A_235 = arith.constant 8.000000e+00 : f32
        %mul3A_236 = vector.broadcast %mul3A_235 : f32 to vector<16xf32>
        %mul3A_237 = arith.mulf %get3A_234, %mul3A_236 : vector<16xf32>
        %swap3A_238 = arith.index_cast %scan3A_218 : i32 to index
        %swap3A_239 = arith.constant 16 : index
        %swap3A_240 = tpu.vector_load %arg9[%swap3A_238, %swap3A_239] {strides = array<i32>} : memref<128x64xf32, #tpu.memory_space<vmem>>, vector<1x16xf32>,
        %swap3A_241 = vector.shape_cast %swap3A_240 : vector<1x16xf32> to vector<16xf32>
        %swap3A_242 = vector.shape_cast %mul3A_237 : vector<16xf32> to vector<1x16xf32>
        tpu.vector_store %arg9[%swap3A_238, %swap3A_239], %swap3A_242 {strides = array<i32>} : memref<128x64xf32, #tpu.memory_space<vmem>>, vector<1x16xf32>,
        %get3A_243 = arith.index_cast %scan3A_218 : i32 to index
        %get3A_244 = arith.constant 32 : index
        %get3A_245 = tpu.vector_load %arg9[%get3A_243, %get3A_244] {strides = array<i32>} : memref<128x64xf32, #tpu.memory_space<vmem>>, vector<1x16xf32>,
        %get3A_246 = vector.shape_cast %get3A_245 : vector<1x16xf32> to vector<16xf32>
        %mul3A_247 = arith.constant 8.000000e+00 : f32
        %mul3A_248 = vector.broadcast %mul3A_247 : f32 to vector<16xf32>
        %mul3A_249 = arith.mulf %get3A_246, %mul3A_248 : vector<16xf32>
        %swap3A_250 = arith.index_cast %scan3A_218 : i32 to index
        %swap3A_251 = arith.constant 32 : index
        %swap3A_252 = tpu.vector_load %arg9[%swap3A_250, %swap3A_251] {strides = array<i32>} : memref<128x64xf32, #tpu.memory_space<vmem>>, vector<1x16xf32>,
        %swap3A_253 = vector.shape_cast %swap3A_252 : vector<1x16xf32> to vector<16xf32>
        %swap3A_254 = vector.shape_cast %mul3A_249 : vector<16xf32> to vector<1x16xf32>
        tpu.vector_store %arg9[%swap3A_250, %swap3A_251], %swap3A_254 {strides = array<i32>} : memref<128x64xf32, #tpu.memory_space<vmem>>, vector<1x16xf32>,
        %get3A_255 = arith.index_cast %scan3A_218 : i32 to index
        %get3A_256 = arith.constant 48 : index
        %get3A_257 = tpu.vector_load %arg9[%get3A_255, %get3A_256] {strides = array<i32>} : memref<128x64xf32, #tpu.memory_space<vmem>>, vector<1x16xf32>,
        %get3A_258 = vector.shape_cast %get3A_257 : vector<1x16xf32> to vector<16xf32>
        %mul3A_259 = arith.constant 8.000000e+00 : f32
        %mul3A_260 = vector.broadcast %mul3A_259 : f32 to vector<16xf32>
        %mul3A_261 = arith.mulf %get3A_258, %mul3A_260 : vector<16xf32>
        %swap3A_262 = arith.index_cast %scan3A_218 : i32 to index
        %swap3A_263 = arith.constant 48 : index
        %swap3A_264 = tpu.vector_load %arg9[%swap3A_262, %swap3A_263] {strides = array<i32>} : memref<128x64xf32, #tpu.memory_space<vmem>>, vector<1x16xf32>,
        %swap3A_265 = vector.shape_cast %swap3A_264 : vector<1x16xf32> to vector<16xf32>
        %swap3A_266 = vector.shape_cast %mul3A_261 : vector<16xf32> to vector<1x16xf32>
        tpu.vector_store %arg9[%swap3A_262, %swap3A_263], %swap3A_266 {strides = array<i32>} : memref<128x64xf32, #tpu.memory_space<vmem>>, vector<1x16xf32>,
        %scan3A_267 = arith.constant 2 : i32
        %scan3A_268 = arith.addi %scan3A_170, %scan3A_267 : i32
        %get3A_269 = arith.index_cast %scan3A_268 : i32 to index
        %get3A_270 = arith.constant 0 : index
        %get3A_271 = tpu.vector_load %arg9[%get3A_269, %get3A_270] {strides = array<i32>} : memref<128x64xf32, #tpu.memory_space<vmem>>, vector<1x16xf32>,
        %get3A_272 = vector.shape_cast %get3A_271 : vector<1x16xf32> to vector<16xf32>
        %mul3A_273 = arith.constant 8.000000e+00 : f32
        %mul3A_274 = vector.broadcast %mul3A_273 : f32 to vector<16xf32>
        %mul3A_275 = arith.mulf %get3A_272, %mul3A_274 : vector<16xf32>
        %swap3A_276 = arith.index_cast %scan3A_268 : i32 to index
        %swap3A_277 = arith.constant 0 : index
        %swap3A_278 = tpu.vector_load %arg9[%swap3A_276, %swap3A_277] {strides = array<i32>} : memref<128x64xf32, #tpu.memory_space<vmem>>, vector<1x16xf32>,
        %swap3A_279 = vector.shape_cast %swap3A_278 : vector<1x16xf32> to vector<16xf32>
        %swap3A_280 = vector.shape_cast %mul3A_275 : vector<16xf32> to vector<1x16xf32>
        tpu.vector_store %arg9[%swap3A_276, %swap3A_277], %swap3A_280 {strides = array<i32>} : memref<128x64xf32, #tpu.memory_space<vmem>>, vector<1x16xf32>,
        %get3A_281 = arith.index_cast %scan3A_268 : i32 to index
        %get3A_282 = arith.constant 16 : index
        %get3A_283 = tpu.vector_load %arg9[%get3A_281, %get3A_282] {strides = array<i32>} : memref<128x64xf32, #tpu.memory_space<vmem>>, vector<1x16xf32>,
        %get3A_284 = vector.shape_cast %get3A_283 : vector<1x16xf32> to vector<16xf32>
        %mul3A_285 = arith.constant 8.000000e+00 : f32
        %mul3A_286 = vector.broadcast %mul3A_285 : f32 to vector<16xf32>
        %mul3A_287 = arith.mulf %get3A_284, %mul3A_286 : vector<16xf32>
        %swap3A_288 = arith.index_cast %scan3A_268 : i32 to index
        %swap3A_289 = arith.constant 16 : index
        %swap3A_290 = tpu.vector_load %arg9[%swap3A_288, %swap3A_289] {strides = array<i32>} : memref<128x64xf32, #tpu.memory_space<vmem>>, vector<1x16xf32>,
        %swap3A_291 = vector.shape_cast %swap3A_290 : vector<1x16xf32> to vector<16xf32>
        %swap3A_292 = vector.shape_cast %mul3A_287 : vector<16xf32> to vector<1x16xf32>
        tpu.vector_store %arg9[%swap3A_288, %swap3A_289], %swap3A_292 {strides = array<i32>} : memref<128x64xf32, #tpu.memory_space<vmem>>, vector<1x16xf32>,
        %get3A_293 = arith.index_cast %scan3A_268 : i32 to index
        %get3A_294 = arith.constant 32 : index
        %get3A_295 = tpu.vector_load %arg9[%get3A_293, %get3A_294] {strides = array<i32>} : memref<128x64xf32, #tpu.memory_space<vmem>>, vector<1x16xf32>,
        %get3A_296 = vector.shape_cast %get3A_295 : vector<1x16xf32> to vector<16xf32>
        %mul3A_297 = arith.constant 8.000000e+00 : f32
        %mul3A_298 = vector.broadcast %mul3A_297 : f32 to vector<16xf32>
        %mul3A_299 = arith.mulf %get3A_296, %mul3A_298 : vector<16xf32>
        %swap3A_300 = arith.index_cast %scan3A_268 : i32 to index
        %swap3A_301 = arith.constant 32 : index
        %swap3A_302 = tpu.vector_load %arg9[%swap3A_300, %swap3A_301] {strides = array<i32>} : memref<128x64xf32, #tpu.memory_space<vmem>>, vector<1x16xf32>,
        %swap3A_303 = vector.shape_cast %swap3A_302 : vector<1x16xf32> to vector<16xf32>
        %swap3A_304 = vector.shape_cast %mul3A_299 : vector<16xf32> to vector<1x16xf32>
        tpu.vector_store %arg9[%swap3A_300, %swap3A_301], %swap3A_304 {strides = array<i32>} : memref<128x64xf32, #tpu.memory_space<vmem>>, vector<1x16xf32>,
        %get3A_305 = arith.index_cast %scan3A_268 : i32 to index
        %get3A_306 = arith.constant 48 : index
        %get3A_307 = tpu.vector_load %arg9[%get3A_305, %get3A_306] {strides = array<i32>} : memref<128x64xf32, #tpu.memory_space<vmem>>, vector<1x16xf32>,
        %get3A_308 = vector.shape_cast %get3A_307 : vector<1x16xf32> to vector<16xf32>
        %mul3A_309 = arith.constant 8.000000e+00 : f32
        %mul3A_310 = vector.broadcast %mul3A_309 : f32 to vector<16xf32>
        %mul3A_311 = arith.mulf %get3A_308, %mul3A_310 : vector<16xf32>
        %swap3A_312 = arith.index_cast %scan3A_268 : i32 to index
        %swap3A_313 = arith.constant 48 : index
        %swap3A_314 = tpu.vector_load %arg9[%swap3A_312, %swap3A_313] {strides = array<i32>} : memref<128x64xf32, #tpu.memory_space<vmem>>, vector<1x16xf32>,
        %swap3A_315 = vector.shape_cast %swap3A_314 : vector<1x16xf32> to vector<16xf32>
        %swap3A_316 = vector.shape_cast %mul3A_311 : vector<16xf32> to vector<1x16xf32>
        tpu.vector_store %arg9[%swap3A_312, %swap3A_313], %swap3A_316 {strides = array<i32>} : memref<128x64xf32, #tpu.memory_space<vmem>>, vector<1x16xf32>,
        %scan3A_317 = arith.constant 3 : i32
        %scan3A_318 = arith.addi %scan3A_170, %scan3A_317 : i32
        %get3A_319 = arith.index_cast %scan3A_318 : i32 to index
        %get3A_320 = arith.constant 0 : index
        %get3A_321 = tpu.vector_load %arg9[%get3A_319, %get3A_320] {strides = array<i32>} : memref<128x64xf32, #tpu.memory_space<vmem>>, vector<1x16xf32>,
        %get3A_322 = vector.shape_cast %get3A_321 : vector<1x16xf32> to vector<16xf32>
        %mul3A_323 = arith.constant 8.000000e+00 : f32
        %mul3A_324 = vector.broadcast %mul3A_323 : f32 to vector<16xf32>
        %mul3A_325 = arith.mulf %get3A_322, %mul3A_324 : vector<16xf32>
        %swap3A_326 = arith.index_cast %scan3A_318 : i32 to index
        %swap3A_327 = arith.constant 0 : index
        %swap3A_328 = tpu.vector_load %arg9[%swap3A_326, %swap3A_327] {strides = array<i32>} : memref<128x64xf32, #tpu.memory_space<vmem>>, vector<1x16xf32>,
        %swap3A_329 = vector.shape_cast %swap3A_328 : vector<1x16xf32> to vector<16xf32>
        %swap3A_330 = vector.shape_cast %mul3A_325 : vector<16xf32> to vector<1x16xf32>
        tpu.vector_store %arg9[%swap3A_326, %swap3A_327], %swap3A_330 {strides = array<i32>} : memref<128x64xf32, #tpu.memory_space<vmem>>, vector<1x16xf32>,
        %get3A_331 = arith.index_cast %scan3A_318 : i32 to index
        %get3A_332 = arith.constant 16 : index
        %get3A_333 = tpu.vector_load %arg9[%get3A_331, %get3A_332] {strides = array<i32>} : memref<128x64xf32, #tpu.memory_space<vmem>>, vector<1x16xf32>,
        %get3A_334 = vector.shape_cast %get3A_333 : vector<1x16xf32> to vector<16xf32>
        %mul3A_335 = arith.constant 8.000000e+00 : f32
        %mul3A_336 = vector.broadcast %mul3A_335 : f32 to vector<16xf32>
        %mul3A_337 = arith.mulf %get3A_334, %mul3A_336 : vector<16xf32>
        %swap3A_338 = arith.index_cast %scan3A_318 : i32 to index
        %swap3A_339 = arith.constant 16 : index
        %swap3A_340 = tpu.vector_load %arg9[%swap3A_338, %swap3A_339] {strides = array<i32>} : memref<128x64xf32, #tpu.memory_space<vmem>>, vector<1x16xf32>,
        %swap3A_341 = vector.shape_cast %swap3A_340 : vector<1x16xf32> to vector<16xf32>
        %swap3A_342 = vector.shape_cast %mul3A_337 : vector<16xf32> to vector<1x16xf32>
        tpu.vector_store %arg9[%swap3A_338, %swap3A_339], %swap3A_342 {strides = array<i32>} : memref<128x64xf32, #tpu.memory_space<vmem>>, vector<1x16xf32>,
        %get3A_343 = arith.index_cast %scan3A_318 : i32 to index
        %get3A_344 = arith.constant 32 : index
        %get3A_345 = tpu.vector_load %arg9[%get3A_343, %get3A_344] {strides = array<i32>} : memref<128x64xf32, #tpu.memory_space<vmem>>, vector<1x16xf32>,
        %get3A_346 = vector.shape_cast %get3A_345 : vector<1x16xf32> to vector<16xf32>
        %mul3A_347 = arith.constant 8.000000e+00 : f32
        %mul3A_348 = vector.broadcast %mul3A_347 : f32 to vector<16xf32>
        %mul3A_349 = arith.mulf %get3A_346, %mul3A_348 : vector<16xf32>
        %swap3A_350 = arith.index_cast %scan3A_318 : i32 to index
        %swap3A_351 = arith.constant 32 : index
        %swap3A_352 = tpu.vector_load %arg9[%swap3A_350, %swap3A_351] {strides = array<i32>} : memref<128x64xf32, #tpu.memory_space<vmem>>, vector<1x16xf32>,
        %swap3A_353 = vector.shape_cast %swap3A_352 : vector<1x16xf32> to vector<16xf32>
        %swap3A_354 = vector.shape_cast %mul3A_349 : vector<16xf32> to vector<1x16xf32>
        tpu.vector_store %arg9[%swap3A_350, %swap3A_351], %swap3A_354 {strides = array<i32>} : memref<128x64xf32, #tpu.memory_space<vmem>>, vector<1x16xf32>,
        %get3A_355 = arith.index_cast %scan3A_318 : i32 to index
        %get3A_356 = arith.constant 48 : index
        %get3A_357 = tpu.vector_load %arg9[%get3A_355, %get3A_356] {strides = array<i32>} : memref<128x64xf32, #tpu.memory_space<vmem>>, vector<1x16xf32>,
        %get3A_358 = vector.shape_cast %get3A_357 : vector<1x16xf32> to vector<16xf32>
        %mul3A_359 = arith.constant 8.000000e+00 : f32
        %mul3A_360 = vector.broadcast %mul3A_359 : f32 to vector<16xf32>
        %mul3A_361 = arith.mulf %get3A_358, %mul3A_360 : vector<16xf32>
        %swap3A_362 = arith.index_cast %scan3A_318 : i32 to index
        %swap3A_363 = arith.constant 48 : index
        %swap3A_364 = tpu.vector_load %arg9[%swap3A_362, %swap3A_363] {strides = array<i32>} : memref<128x64xf32, #tpu.memory_space<vmem>>, vector<1x16xf32>,
        %swap3A_365 = vector.shape_cast %swap3A_364 : vector<1x16xf32> to vector<16xf32>
        %swap3A_366 = vector.shape_cast %mul3A_361 : vector<16xf32> to vector<1x16xf32>
        tpu.vector_store %arg9[%swap3A_362, %swap3A_363], %swap3A_366 {strides = array<i32>} : memref<128x64xf32, #tpu.memory_space<vmem>>, vector<1x16xf32>,
      }
      %scan3A_153 = arith.constant 128 : i32
      %mul3A_154 = arith.constant 128 : i32
      %mul3A_155 = arith.muli %add3A_141, %mul3A_154 : i32
      %add3A_156 = arith.addi %mul3A_2, %mul3A_155 : i32
      %dma_start3A_157 = arith.constant 0 : i32
      %dma_start3A_158 = tpu.memref_slice %arg4[%add3A_156, %dma_start3A_157] : memref<819200x64xf32, #tpu.memory_space<hbm>> -> memref<128x64xf32, #tpu.memory_space<hbm>>
      %dma_start3A_159 = arith.constant 0 : i32
      %dma_start3A_160 = tpu.memref_slice %arg4[%add3A_156, %dma_start3A_159] : memref<819200x64xf32, #tpu.memory_space<hbm>> -> memref<128x64xf32, #tpu.memory_space<hbm>>
      tpu.enqueue_dma source(%arg9 : memref<128x64xf32, #tpu.memory_space<vmem>>) target(%dma_start3A_160 : memref<128x64xf32, #tpu.memory_space<hbm>>) target_semaphore(%arg17 : memref<!tpu.dma_semaphore, #tpu.memory_space<semaphore_mem>>)
      %add3A_161 = arith.constant 4 : i32
      %add3A_162 = arith.addi %add3A_141, %add3A_161 : i32
      %sub3A_163 = arith.constant 1 : i32
      %sub3A_164 = arith.subi %add3A_162, %sub3A_163 : i32
      %lt3A_165 = arith.constant 200 : i32
      %lt3A_166 = arith.cmpi slt, %sub3A_164, %lt3A_165 : i32
      %convert_element_type3A_167 = arith.extui %lt3A_166 : i1 to i32
      %cond3A_168 = arith.constant 0 : i32
      %cond3A_169 = arith.cmpi ne, %convert_element_type3A_167, %cond3A_168 : i32
      scf.if %cond3A_169 {
        %ge3A = arith.constant 1 : i32
        %ge3A_170 = arith.cmpi sge, %add3A_141, %ge3A : i32
        %convert_element_type3A_171 = arith.extui %ge3A_170 : i1 to i32
        %cond3A_172 = arith.constant 0 : i32
        %cond3A_173 = arith.cmpi ne, %convert_element_type3A_171, %cond3A_172 : i32
        scf.if %cond3A_173 {
          %sub3A_180 = arith.constant 1 : i32
          %sub3A_181 = arith.subi %add3A_141, %sub3A_180 : i32
          %mul3A_182 = arith.constant 128 : i32
          %mul3A_183 = arith.muli %sub3A_181, %mul3A_182 : i32
          %add3A_184 = arith.addi %mul3A_2, %mul3A_183 : i32
          %dma_wait3A_185 = arith.constant 0 : i32
          %dma_wait3A_186 = tpu.memref_slice %arg4[%add3A_184, %dma_wait3A_185] : memref<819200x64xf32, #tpu.memory_space<hbm>> -> memref<128x64xf32, #tpu.memory_space<hbm>>
          %dma_wait3A_187 = arith.constant 0 : i32
          %dma_wait3A_188 = tpu.memref_slice %arg4[%add3A_184, %dma_wait3A_187] : memref<819200x64xf32, #tpu.memory_space<hbm>> -> memref<128x64xf32, #tpu.memory_space<hbm>>
          tpu.wait_dma2 semaphore(%arg16 : memref<!tpu.dma_semaphore, #tpu.memory_space<semaphore_mem>>) src(%arg8 : memref<128x64xf32, #tpu.memory_space<vmem>>) dst(%dma_wait3A_188 : memref<128x64xf32, #tpu.memory_space<hbm>>)
        } else {
        }
        %mul3A_174 = arith.constant 128 : i32
        %mul3A_175 = arith.muli %sub3A_164, %mul3A_174 : i32
        %dma_start3A_176 = tpu.memref_slice %arg5[%mul3A_175] : memref<25600xi32, #tpu.memory_space<vmem>> -> memref<128xi32, #tpu.memory_space<vmem>>
        %dma_start3A_177 = arith.constant 0 : i32
        %dma_start3A_178 = arith.constant 0 : i32
        %dma_start3A_179 = tpu.memref_slice %arg3[%dma_start3A_177, %dma_start3A_178] : memref<1000000x64xf32, #tpu.memory_space<hbm>> -> memref<1000000x64xf32, #tpu.memory_space<hbm>>
        tpu.enqueue_indirect_dma source(%dma_start3A_179 : memref<1000000x64xf32, #tpu.memory_space<hbm>>) target(%arg8 : memref<128x64xf32, #tpu.memory_space<vmem>>) offsets(%dma_start3A_176 : memref<128xi32, #tpu.memory_space<vmem>>) semaphore(%arg12 : memref<!tpu.dma_semaphore, #tpu.memory_space<semaphore_mem>>)
      } else {
      }
    }
    %scan3A_21 = arith.constant 50 : i32
    %add3A_22 = arith.constant 25088 : i32
    %add3A_23 = arith.addi %mul3A_2, %add3A_22 : i32
    %dma_wait3A = arith.constant 0 : i32
    %dma_wait3A_24 = tpu.memref_slice %arg4[%add3A_23, %dma_wait3A] : memref<819200x64xf32, #tpu.memory_space<hbm>> -> memref<128x64xf32, #tpu.memory_space<hbm>>
    %dma_wait3A_25 = arith.constant 0 : i32
    %dma_wait3A_26 = tpu.memref_slice %arg4[%add3A_23, %dma_wait3A_25] : memref<819200x64xf32, #tpu.memory_space<hbm>> -> memref<128x64xf32, #tpu.memory_space<hbm>>
    tpu.wait_dma2 semaphore(%arg14 : memref<!tpu.dma_semaphore, #tpu.memory_space<semaphore_mem>>) src(%arg6 : memref<128x64xf32, #tpu.memory_space<vmem>>) dst(%dma_wait3A_26 : memref<128x64xf32, #tpu.memory_space<hbm>>)
    %add3A_27 = arith.constant 25216 : i32
    %add3A_28 = arith.addi %mul3A_2, %add3A_27 : i32
    %dma_wait3A_29 = arith.constant 0 : i32
    %dma_wait3A_30 = tpu.memref_slice %arg4[%add3A_28, %dma_wait3A_29] : memref<819200x64xf32, #tpu.memory_space<hbm>> -> memref<128x64xf32, #tpu.memory_space<hbm>>
    %dma_wait3A_31 = arith.constant 0 : i32
    %dma_wait3A_32 = tpu.memref_slice %arg4[%add3A_28, %dma_wait3A_31] : memref<819200x64xf32, #tpu.memory_space<hbm>> -> memref<128x64xf32, #tpu.memory_space<hbm>>
    tpu.wait_dma2 semaphore(%arg15 : memref<!tpu.dma_semaphore, #tpu.memory_space<semaphore_mem>>) src(%arg7 : memref<128x64xf32, #tpu.memory_space<vmem>>) dst(%dma_wait3A_32 : memref<128x64xf32, #tpu.memory_space<hbm>>)
    %add3A_33 = arith.constant 25344 : i32
    %add3A_34 = arith.addi %mul3A_2, %add3A_33 : i32
    %dma_wait3A_35 = arith.constant 0 : i32
    %dma_wait3A_36 = tpu.memref_slice %arg4[%add3A_34, %dma_wait3A_35] : memref<819200x64xf32, #tpu.memory_space<hbm>> -> memref<128x64xf32, #tpu.memory_space<hbm>>
    %dma_wait3A_37 = arith.constant 0 : i32
    %dma_wait3A_38 = tpu.memref_slice %arg4[%add3A_34, %dma_wait3A_37] : memref<819200x64xf32, #tpu.memory_space<hbm>> -> memref<128x64xf32, #tpu.memory_space<hbm>>
    tpu.wait_dma2 semaphore(%arg16 : memref<!tpu.dma_semaphore, #tpu.memory_space<semaphore_mem>>) src(%arg8 : memref<128x64xf32, #tpu.memory_space<vmem>>) dst(%dma_wait3A_38 : memref<128x64xf32, #tpu.memory_space<hbm>>)
    %add3A_39 = arith.constant 25472 : i32
    %add3A_40 = arith.addi %mul3A_2, %add3A_39 : i32
    %dma_wait3A_41 = arith.constant 0 : i32
    %dma_wait3A_42 = tpu.memref_slice %arg4[%add3A_40, %dma_wait3A_41] : memref<819200x64xf32, #tpu.memory_space<hbm>> -> memref<128x64xf32, #tpu.memory_space<hbm>>
    %dma_wait3A_43 = arith.constant 0 : i32
    %dma_wait3A_44 = tpu.memref_slice %arg4[%add3A_40, %dma_wait3A_43] : memref<819200x64xf32, #tpu.memory_space<hbm>> -> memref<128x64xf32, #tpu.memory_space<hbm>>
    tpu.wait_dma2 semaphore(%arg17 : memref<!tpu.dma_semaphore, #tpu.memory_space<semaphore_mem>>) src(%arg9 : memref<128x64xf32, #tpu.memory_space<vmem>>) dst(%dma_wait3A_44 : memref<128x64xf32, #tpu.memory_space<hbm>>)
    return
  }
}

</mosaic_0001>

<sc_bundles>
// kernel: _lookup.3.cloned.1.call-start
scs
__scs_entry_jumppad:
0x0: {  	(pc) =	sbr.rel $0x88, $3  }
0x1: {  	(tag) =	ssettag $0x0;
	lr =	simm.s32 $0x1  }
0x2: {  	[smem:$0x3F9F] =	sst lr;
	_ =	strace $0xD0000000  }
0x3: {  	_ = 	snop  }
0x4: {  	_ = 	snop  }
0x5: {  	_ = 	snop  }
0x6: {  	_ = 	snop  }
0x7: {  	_ = 	snop  }
__scs_overlays_trampoline_lowered:
0x8: {  	[smem:$0x3FAE] =	sst s0  }
0x9: {  	[smem:$0x3FAF] =	sst s1  }
0xa: {  	[smem:$0x3FB0] =	sst s2  }
0xb: {  	[smem:$0x3FB1] =	sst s3  }
0xc: {  	[smem:$0x3FB2] =	sst s4  }
0xd: {  	[smem:$0x3FB3] =	sst s5  }
0xe: {  	[smem:$0x3FB4] =	sst s6  }
0xf: {  	[smem:$0x3FB5] =	sst s7  }
0x10: {  	[smem:$0x3FB6] =	sst s8  }
0x11: {  	[smem:$0x3FB7] =	sst s9;
	s0 =	simm.s32 @!p0 $0x0  }
0x12: {  	s1 =	sld [smem:$0x3F9D];
	s0 =	simm.s32 @p0 $0x1  }
0x13: {  	[smem:$0x3FB8] =	sst s0;
	s0 =	simm.s32 @!p1 $0x0  }
0x14: {  	s2 =	sld [smem:$0x3F9C];
	s0 =	simm.s32 @p1 $0x1  }
0x15: {  	[smem:$0x3FB9] =	sst s0;
	s0 =	simm.s32 @!p2 $0x0  }
0x16: {  	s3 =	sld [smem:$0x3FDB];
	s0 =	simm.s32 @p2 $0x1  }
0x17: {  	s4 =	simm.s32 $0x1BF5;
	[smem:$0x3FBB] =	sst s0  }
0x18: {  	s0 =	sld [smem:$0x3F9E];
	_ =	swait.ge [sflag:s4], $0x0  }
0x19: {  	s7 =	sld [smem:$0x3F9F]  }
0x1a: {  	s8 =	sadd.s32 $0xFFFFE003, lr  }
0x1b: {  	s9 =	sadd.s32 $0xFFFFFEF7, lr;
	s5 =	simm.s32 $0xFFFFFFFF;
	p2 =	slt.u32 s8, $0xFFFFF086  }
0x1c: {  	p1 =	slt.u32 s9, $0xF7A;
	s5 =	simm.s32 @!p2 $0x0  }
0x1d: {  	s5 =	simm.s32 @p1 $0x1;
	p0 =	seq.s32 s7, s2  }
0x1e: {  	s7 =	smul.u32 @!p0 $0xF7A, s2;
	p2 =	seq.s32 @!p0 s5, $0x0  }
0x1f: {  	s9 =	smul.u32 $0xF7A, s1;
	s8 =	simm.s32 @!p0 $0x1BF5;
	p2 =	por !p2, p0  }
0x20: {  	[sflag:s8] =	ssyncset.s32 @!p0 $0xFFFFF086;
	s6 =	sadd.s32 @!p0 s3, s7;
	s7 =	simm.s32 @!p0 $0x108  }
0x21: {  	s3 =	sadd.s32 s3, s9;
	s6 =	sadd.s32 @!p0 $0x88, s6;
	s7 =	simm.s32 @p2 $0x1082  }
0x22: {  	[simem:s7], [sflag:s8] =	dma.local @!p0 [hbm:s6], $0xF7A  }
0x23: {  	s9 =	sor.u32 $0xD0000000, s2;
	s6 =	simm.s32 $0x108;
	_ =	swait.ge @!p0 [sflag:s8], $0x0  }
0x24: {  	s3 =	sadd.s32 $0x88, s3;
	s6 =	simm.s32 @!p1 $0x1082;
	[sflag:s4] =	ssyncset.s32 $0xFFFFF086  }
0x25: {  	[simem:s6], [sflag:s4] =	dma.local [hbm:s3], $0xF7A  }
0x26: {  	[smem:$0x3F9F] =	sst s1;
	(tag) =	ssettag s2;
	_ =	strace s9  }
0x27: {  	s1 =	sld [smem:$0x3FAF]  }
0x28: {  	s2 =	sld [smem:$0x3FB0]  }
0x29: {  	s4 =	sld [smem:$0x3FB2]  }
0x2a: {  	p0 =	seq.s32 s5, $0x0;
	s5 =	sld [smem:$0x3FB3]  }
0x2b: {  	s6 =	sld [smem:$0x3FB4]  }
0x2c: {  	s7 =	sld [smem:$0x3FB5]  }
0x2d: {  	s3 =	simm.s32 $0x108;
	s8 =	sld [smem:$0x3FB6]  }
0x2e: {  	s3 =	simm.s32 @!p0 $0x1082;
	s9 =	sld [smem:$0x3FB7]  }
0x2f: {  	lr =	sadd.s32 s0, s3;
	s0 =	sld [smem:$0x3FAE]  }
0x30: {  	s3 =	sld [smem:$0x3FB1]  }
0x31: {  	[smem:$0x3FBA] =	sst s10  }
0x32: {  	s10 =	sld [smem:$0x3FB8];
	_ =	sdelay $0x3  }
0x33: {  	p0 =	seq.s32 s10, $0x1;
	s10 =	sld [smem:$0x3FBA];
	_ =	sdelay $0x3  }
0x34: {  	[smem:$0x3FBA] =	sst s10  }
0x35: {  	s10 =	sld [smem:$0x3FB9];
	_ =	sdelay $0x3  }
0x36: {  	p1 =	seq.s32 s10, $0x1;
	s10 =	sld [smem:$0x3FBA];
	_ =	sdelay $0x3  }
0x37: {  	[smem:$0x3FBA] =	sst s10  }
0x38: {  	s10 =	sld [smem:$0x3FBB]  }
0x39: {  	_ = 	snop;
	(pc) =	sbr.ind lr, $3  }
0x3a: {  	_ = 	snop  }
0x3b: {  	_ = 	snop  }
0x3c: {  	p2 =	seq.s32 s10, $0x1;
	s10 =	sld [smem:$0x3FBA]  }
0x3d: {  	_ =	shalt  }
0x3e: {  	_ =	shalt  }
0x3f: {  	_ =	shalt  }
0x40: {  	_ =	shalt  }
0x41: {  	_ =	shalt  }
0x42: {  	_ =	shalt  }
0x43: {  	_ =	shalt  }
0x44: {  	_ =	shalt  }
0x45: {  	_ =	shalt  }
0x46: {  	_ =	shalt  }
0x47: {  	_ =	shalt  }
0x48: {  	_ =	shalt  }
0x49: {  	_ =	shalt  }
0x4a: {  	_ =	shalt  }
0x4b: {  	_ =	shalt  }
0x4c: {  	_ =	shalt  }
0x4d: {  	_ =	shalt  }
0x4e: {  	_ =	shalt  }
0x4f: {  	_ =	shalt  }
0x50: {  	_ =	shalt  }
0x51: {  	_ =	shalt  }
0x52: {  	_ =	shalt  }
0x53: {  	_ =	shalt  }
0x54: {  	_ =	shalt  }
0x55: {  	_ =	shalt  }
0x56: {  	_ =	shalt  }
0x57: {  	_ =	shalt  }
0x58: {  	_ =	shalt  }
0x59: {  	_ =	shalt  }
0x5a: {  	_ =	shalt  }
0x5b: {  	_ =	shalt  }
0x5c: {  	_ =	shalt  }
0x5d: {  	_ =	shalt  }
0x5e: {  	_ =	shalt  }
0x5f: {  	_ =	shalt  }
0x60: {  	_ =	shalt  }
0x61: {  	_ =	shalt  }
0x62: {  	_ =	shalt  }
0x63: {  	_ =	shalt  }
0x64: {  	_ =	shalt  }
0x65: {  	_ =	shalt  }
0x66: {  	_ =	shalt  }
0x67: {  	_ =	shalt  }
0x68: {  	_ =	shalt  }
0x69: {  	_ =	shalt  }
0x6a: {  	_ =	shalt  }
0x6b: {  	_ =	shalt  }
0x6c: {  	_ =	shalt  }
0x6d: {  	_ =	shalt  }
0x6e: {  	_ =	shalt  }
0x6f: {  	_ =	shalt  }
0x70: {  	_ =	shalt  }
0x71: {  	_ =	shalt  }
0x72: {  	_ =	shalt  }
0x73: {  	_ =	shalt  }
0x74: {  	_ =	shalt  }
0x75: {  	_ =	shalt  }
0x76: {  	_ =	shalt  }
0x77: {  	_ =	shalt  }
0x78: {  	_ =	shalt  }
0x79: {  	_ =	shalt  }
0x7a: {  	_ =	shalt  }
0x7b: {  	_ =	shalt  }
0x7c: {  	_ =	shalt  }
0x7d: {  	_ =	shalt  }
0x7e: {  	_ =	shalt  }
0x7f: {  	_ =	shalt  }
0x80: {  	_ =	shalt  }
0x81: {  	_ =	shalt  }
0x82: {  	_ =	shalt  }
0x83: {  	_ =	shalt  }
0x84: {  	_ =	shalt  }
0x85: {  	_ =	shalt  }
0x86: {  	_ =	shalt  }
0x87: {  	_ =	shalt  }
.Lfunc_end0:
.L_simem_size_0:
called_computation.1_lowered:
.L_overlay_start_0:
0x88: {  	s2 =	sld [smem:$0x3FD9]  }
0x89: {  	s3 =	sld [smem:$0x3FFE];
	_ =	sdelay $0x1  }
0x8a: {  	s1 =	srdreg.scid  }
0x8b: {  	s0 =	sand.u32 $0x1, s1  }
0x8c: {  	s17 =	sshll.u32 s0, $0xA;
	s2 =	sadd.s32 s3, s2  }
0x8d: {  	s2 =	sadd.s32 s2, s17  }
0x8e: {  	[smem:$0x3FC6] =	sst s2  }
0x8f: {  	_ = 	snop  }
0x90: {  	s2 =	sld [smem:$0x3FC9]  }
0x91: {  	s18 =	sld [smem:$0x3FD0];
	(tm) =	ssettm $0x1  }
0x92: {  	s4 =	sld [smem:$0x3FFB];
	_ =	sdelay $0x3  }
0x93: {  	_ =	strace s4  }
0x94: {  	s4 =	sld [smem:$0x3FFC];
	_ =	sdelay $0x3  }
0x95: {  	_ =	strace s4  }
0x96: {  	s4 =	sld [smem:$0x3FFD];
	_ =	sdelay $0x3  }
0x97: {  	_ =	strace s4  }
0x98: {  	_ =	strace $0x8FFFFFFF  }
0x99: {  	s19 =	sld [smem:$0x3FDB];
	_ =	sdelay $0x1  }
0x9a: {  	s5 =	simm.s32 $_scs_section_size  }
0x9b: {  	s6 =	simm.s32 $_size__tile_overlayer_lowered;
	s7 =	simm.s32 $_tile_overlayer_lowered  }
0x9c: {  	s22 =	simm.s32 $0x1BFF;
	s21 =	sshll.u32 s7, $0x1;
	s4 =	sadd.s32 s5, s19  }
0x9d: {  	s8 =	simm.s32 $0x0;
	s20 =	sshll.u32 s6, $0x1;
	s6 =	sadd.s32 s21, s4  }
0x9e: {  	[timem:s8], [sflag:s22] =	dma.local [hbm:s6], s20  }
0x9f: {  	_ =	swait.ge [sflag:s22], s20  }
0xa0: {  	s5 =	ssub.s32 $0x0, s20;
	[sflag:s22] =	ssyncset.done $0x0  }
0xa1: {  	[sflag:s22] =	ssyncadd.s32 s5;
	_ =	sdelay $0x1  }
0xa2: {  	s23 =	simm.s32 $0x1B8B  }
0xa3: {  	_ =	swait.ge [sflag:s23], $0x1  }
0xa4: {  	[sflag:s23] =	ssyncset.done $0x0  }
0xa5: {  	s25 =	simm.s32 $0x1B8E;
	s24 =	sld [smem:$0x3FFE];
	[sflag:s23] =	ssyncadd.s32 $0xFFFFFFFF  }
0xa6: {  	s26 =	simm.s32 $execute0_lowered;
	[smem:$0x3FD2] =	sst s25  }
0xa7: {  	s6 =	sshll.u32 s26, $0x1;
	_ =	strace $0x80000046;
	[dreg:$0x1] =	wrdreg $0xFFFFFFFF  }
0xa8: {  	s28 =	simm.s32 $_size_execute0_lowered;
	s4 =	sadd.s32 s4, s6;
	[dreg:$0x0] =	wrdreg $0x0  }
0xa9: {  	s6 =	sshll.u32 s28, $0x1;
	[dreg:$0x2] =	wrdreg s4  }
0xaa: {  	[dreg:$0x3] =	wrdreg s6  }
0xab: {  	[dreg:$0x4] =	wrdreg $0xC0  }
0xac: {  	_ =	task [dreg:s8], $0x5FFFF  }
0xad: {  	[dreg:$0x1] =	wrdreg $0xFFFFFFFF  }
0xae: {  	[dreg:$0x0] =	wrdreg $0x60  }
0xaf: {  	[dreg:$0x2] =	wrdreg s2  }
0xb0: {  	[dreg:$0x3] =	wrdreg s24  }
0xb1: {  	[dreg:$0x4] =	wrdreg s18  }
0xb2: {  	[dreg:$0x5] =	wrdreg $0x9  }
0xb3: {  	_ =	task.clear_ibuf [dreg:s8], $0x6FFFF;
	_ =	strace $0x90000046  }
0xb4: {  	s29 =	simm.s32 $0x9;
	_ =	strace $0x80000048  }
0xb5: {  	_ =	swait.ge [sflag:s29], $0x1  }
0xb6: {  	[sflag:s29] =	ssyncadd.s32 $0xFFFFFFFF  }
0xb7: {  	_ =	strace $0x90000048  }
0xb8: {  	_ =	sfence  }
0xb9: {  	s30 =	sld [smem:$0x0];
	_ =	sdelay $0x2  }
0xba: {  	s31 =	sshll.u32 s1, $0xD;
	s1 =	sshrl.u32 s1, $0x2  }
0xbb: {  	s3 =	sand.u32 $0x4000, s31;
	s1 =	sadd.s32 s1, s30  }
0xbc: {  	s0 =	sor.u32 s3, s0;
	s1 =	sshll.u32 s1, $0x11  }
0xbd: {  	s0 =	sor.u32 s1, s0  }
0xbe: {  	s0 =	sadd.s32 $0x8F2B, s0  }
0xbf: {  	[sflag:s0] =	ssyncadd.remote.s32 $0x1  }
0xc0: {  	_ =	sfence.sel $0xFFFF  }
0xc1: {  	[dreg:$0x0] =	wrdreg $0xFFFFFFFF;
	(pc) =	sbr.abs _section_cstart, $3  }
0xc2: {  	[dreg:$0x1] =	wrdreg $0xFFFFFFFF  }
0xc3: {  	_ =	task.clear_ibuf [dreg:s8], $0x2FFFF;
	_ =	strace $0x9FFFFFFF  }
0xc4: {  	(tm) =	ssettm $0x7FFFFFFF  }
0xc5: {  	_ =	shalt  }
tec
execute0_lowered:
.L_overlay_start_1:
0x0: {  	(tag) =	ssettag $0x1  }
0x1: {  	s0 =	rddreg [dreg:$0x0];
	s1 =	srdreg.scid  }
0x2: {  	s2 =	stileid.u32;
	s5 =	rddreg [dreg:$0x1];
	s10 =	simm.s32 $0x9  }
0x3: {  	s11 =	simm.s32 $0x80;
	s12 =	simm.s32 $0x6400;
	s13 =	simm.s32 $0x8400  }
0x4: {  	s14 =	simm.s32 $0x100;
	s15 =	simm.s32 $0xA400;
	s16 =	simm.s32 $0x1  }
0x5: {  	s17 =	simm.s32 $0xC400;
	s18 =	simm.s32 $0x2;
	s19 =	simm.s32 $0x3  }
0x6: {  	s20 =	simm.s32 $0x4;
	s21 =	simm.s32 $0x5;
	s22 =	simm.s32 $0x6  }
0x7: {  	s23 =	simm.s32 $0x7;
	s24 =	simm.s32 $0x8;
	s25 =	simm.s32 $0x0  }
0x8: {  	s1 =	sand.u32 $0x1, s1;
	s3 =	sshll.u32 s2, $0x1;
	s2 =	rddreg [dreg:$0x2]  }
.Ltmp0:
0x9: {  	s5 =	sadd.s32 $0xF42C00, s5;
	s4 =	sor.u32 s1, s3;
	(pc) =	sbr.rel .LBB2_1-.Ltmp0, $4  }
0xa: {  	s3 =	simm.s32 $0x0;
	s1 =	ssub.s32 $0x2, s1;
	s6 =	smul.u32 $0xC80, s4  }
0xb: {  	[smem:$0x7FF] =	sst s3;
	s4 =	smul.u32 $0x190000, s4;
	s7 =	sshrl.u32 s1, $0x1  }
0xc: {  	_ =	strace $0x80000047;
	s1 =	ssub.s32 s1, s7;
	s6 =	sadd.s32 s0, s6  }
0xd: {  	s7 =	sor.u32 $0x2000, s4;
	s8 =	sor.u32 $0x4000, s4;
	s9 =	smax.u32 s1, $0x1  }
.LBB2_12:
0xe: {  	_ =	swait.ge [sflag:s21], $0x2000  }
0xf: {  	[sflag:s21] =	ssyncset.done $0x0  }
0x10: {  	[sflag:s21] =	ssyncadd.s32 $0xFFFFE000  }
0x11: {  	_ =	swait.ge [sflag:s22], $0x2000  }
0x12: {  	[sflag:s22] =	ssyncset.done $0x0  }
0x13: {  	s25 =	sadd.s32 $0x1, s25;
	[sflag:s22] =	ssyncadd.s32 $0xFFFFE000  }
0x14: {  	p0 =	sne.s32 s25, s9;
	_ =	swait.ge [sflag:s23], $0x2000  }
.Ltmp1:
0x15: {  	[sflag:s23] =	ssyncset.done $0x0;
	(pc) =	sbr.rel @!p0 .LBB2_13-.Ltmp1, $4  }
0x16: {  	[sflag:s23] =	ssyncadd.s32 $0xFFFFE000  }
0x17: {  	_ =	swait.ge [sflag:s24], $0x2000  }
0x18: {  	[sflag:s24] =	ssyncset.done $0x0  }
0x19: {  	[sflag:s24] =	ssyncadd.s32 $0xFFFFE000  }
.LBB2_1:
0x1a: {  	[tilespmem:s3], [sflag:$0x9] =	stream.linear.gather [hbm4b:s6+s3], $0x6400, $0x38;
	[tilespmem:$0xE400] =	vst v63  }
0x1b: {  	_ =	swait.ge [sflag:s10], $0x6400  }
0x1c: {  	[sflag:s10] =	ssyncset.done $0x0  }
0x1d: {  	[sflag:s10] =	ssyncadd.s32 $0xFFFF9C00  }
0x1e: {  	[tilespmem:s12], [sflag:$0x1] =	stream.indirect.gather [hbm4b:s5+s11], $0x40, s3, s11, $0xb8;
	[tilespmem:$0xE400] =	vst v63  }
0x1f: {  	_ = 	snop  }
0x20: {  	[tilespmem:s13], [sflag:$0x2] =	stream.indirect.gather [hbm4b:s5+s11], $0x40, s11, s11, $0xb8;
	[tilespmem:$0xE400] =	vst v63  }
0x21: {  	s26 =	simm.s32 $0x0  }
0x22: {  	[tilespmem:s15], [sflag:$0x3] =	stream.indirect.gather [hbm4b:s5+s11], $0x40, s14, s11, $0xb8;
	[tilespmem:$0xE400] =	vst v63  }
.LBB2_2:
0x23: {  	_ =	swait.ge [sflag:s16], $0x2000  }
0x24: {  	[sflag:s16] =	ssyncset.done $0x0  }
0x25: {  	s28 =	simm.s32 $0x6480;
	[sflag:s16] =	ssyncadd.s32 $0xFFFFE000  }
0x26: {  	v0 =	vld [tilespmem:s28+$0xFFFFFF80]  }
0x27: {  	v1 =	vld [tilespmem:s28+$0xFFFFFF90]  }
0x28: {  	v2 =	vld [tilespmem:s28+$0xFFFFFFA0]  }
0x29: {  	v3 =	vld [tilespmem:s28+$0xFFFFFFB0]  }
0x2a: {  	v4 =	vld [tilespmem:s28+$0xFFFFFFC0]  }
0x2b: {  	v5 =	vld [tilespmem:s28+$0xFFFFFFD0];
	v0 =	vmul.f32 $8.000000000e+00, v0  }
0x2c: {  	v6 =	vld [tilespmem:s28+$0xFFFFFFE0];
	v1 =	vmul.f32 $8.000000000e+00, v1  }
0x2d: {  	[tilespmem:s28+$0xFFFFFF80] =	vst v0;
	v0 =	vmul.f32 $8.000000000e+00, v2;
	v2 =	vld [tilespmem:s28+$0x0]  }
0x2e: {  	[tilespmem:s28+$0xFFFFFF90] =	vst v1;
	v1 =	vmul.f32 $8.000000000e+00, v3;
	v3 =	vld [tilespmem:s28+$0x10]  }
0x2f: {  	[tilespmem:s28+$0xFFFFFFA0] =	vst v0;
	v0 =	vmul.f32 $8.000000000e+00, v4;
	v4 =	vld [tilespmem:s28+$0x20]  }
0x30: {  	v7 =	vld [tilespmem:s28+$0x30];
	[tilespmem:s28+$0xFFFFFFB0] =	vst v1;
	v1 =	vmul.f32 $8.000000000e+00, v5  }
0x31: {  	v5 =	vmul.f32 $8.000000000e+00, v6;
	[tilespmem:s28+$0xFFFFFFC0] =	vst v0;
	v0 =	vld [tilespmem:s28+$0x40]  }
0x32: {  	[tilespmem:s28+$0xFFFFFFD0] =	vst v1;
	v1 =	vmul.f32 $8.000000000e+00, v2;
	v2 =	vld [tilespmem:s28+$0x50]  }
0x33: {  	[tilespmem:s28+$0xFFFFFFE0] =	vst v5;
	v6 =	vmul.f32 $8.000000000e+00, v3;
	v3 =	vld [tilespmem:s28+$0x60]  }
0x34: {  	[tilespmem:s28+$0x0] =	vst v1;
	v5 =	vmul.f32 $8.000000000e+00, v4;
	v4 =	vld [tilespmem:s28+$0x70]  }
0x35: {  	s29 =	simm.s32 $0x0;
	s1 =	simm.s32 $0x6580;
	v1 =	vld [tilespmem:s28+$0xFFFFFFF0];
	[tilespmem:s28+$0x10] =	vst v6;
	v6 =	vmul.f32 $8.000000000e+00, v7  }
.LBB2_3:
0x36: {  	v7 =	vld [tilespmem:s1+$0xFFFFFF80];
	[tilespmem:s28+$0x20] =	vst v5;
	v0 =	vmul.f32 $8.000000000e+00, v0  }
0x37: {  	v5 =	vld [tilespmem:s1+$0xFFFFFF90];
	[tilespmem:s28+$0x30] =	vst v6;
	v2 =	vmul.f32 $8.000000000e+00, v2  }
0x38: {  	v6 =	vld [tilespmem:s1+$0xFFFFFFA0];
	[tilespmem:s28+$0x40] =	vst v0;
	v0 =	vmul.f32 $8.000000000e+00, v3  }
0x39: {  	v3 =	vld [tilespmem:s1+$0xFFFFFFB0];
	[tilespmem:s28+$0x50] =	vst v2;
	v2 =	vmul.f32 $8.000000000e+00, v4  }
0x3a: {  	v4 =	vld [tilespmem:s1+$0xFFFFFFC0];
	v1 =	vmul.f32 $8.000000000e+00, v1;
	[tilespmem:s28+$0x60] =	vst v0  }
0x3b: {  	v0 =	vmul.f32 $8.000000000e+00, v7;
	v7 =	vld [tilespmem:s1+$0xFFFFFFD0];
	[tilespmem:s28+$0x70] =	vst v2  }
0x3c: {  	v2 =	vmul.f32 $8.000000000e+00, v5;
	v5 =	vld [tilespmem:s1+$0xFFFFFFE0];
	[tilespmem:s28+$0xFFFFFFF0] =	vst v1;
	s28 =	smov.u32 s1  }
0x3d: {  	[tilespmem:s1+$0xFFFFFF80] =	vst v0;
	v0 =	vmul.f32 $8.000000000e+00, v6;
	v1 =	vld [tilespmem:s1+$0x0]  }
0x3e: {  	[tilespmem:s1+$0xFFFFFF90] =	vst v2;
	v2 =	vmul.f32 $8.000000000e+00, v3;
	v3 =	vld [tilespmem:s1+$0x10]  }
0x3f: {  	s29 =	sadd.s32 $0x4, s29;
	[tilespmem:s1+$0xFFFFFFA0] =	vst v0;
	v0 =	vmul.f32 $8.000000000e+00, v4;
	v4 =	vld [tilespmem:s1+$0x20]  }
0x40: {  	p0 =	slt.u32 s29, $0x7C;
	[tilespmem:s1+$0xFFFFFFB0] =	vst v2;
	v2 =	vmul.f32 $8.000000000e+00, v7;
	v6 =	vld [tilespmem:s1+$0x30]  }
.Ltmp2:
0x41: {  	[tilespmem:s1+$0xFFFFFFC0] =	vst v0;
	v5 =	vmul.f32 $8.000000000e+00, v5;
	v0 =	vld [tilespmem:s1+$0x40];
	(pc) =	sbr.rel @p0 .LBB2_3-.Ltmp2, $4  }
0x42: {  	[tilespmem:s1+$0xFFFFFFD0] =	vst v2;
	v1 =	vmul.f32 $8.000000000e+00, v1;
	v2 =	vld [tilespmem:s1+$0x50]  }
0x43: {  	[tilespmem:s1+$0xFFFFFFE0] =	vst v5;
	v7 =	vmul.f32 $8.000000000e+00, v3;
	v3 =	vld [tilespmem:s1+$0x60]  }
0x44: {  	[tilespmem:s1+$0x0] =	vst v1;
	v5 =	vmul.f32 $8.000000000e+00, v4;
	v4 =	vld [tilespmem:s1+$0x70]  }
0x45: {  	s1 =	sadd.s32 $0x100, s1;
	v1 =	vld [tilespmem:s28+$0xFFFFFFF0];
	[tilespmem:s28+$0x10] =	vst v7;
	v6 =	vmul.f32 $8.000000000e+00, v6  }
0x46: {  	[tilespmem:s28+$0x20] =	vst v5;
	v0 =	vmul.f32 $8.000000000e+00, v0  }
0x47: {  	[tilespmem:s28+$0x30] =	vst v6;
	v2 =	vmul.f32 $8.000000000e+00, v2  }
0x48: {  	[tilespmem:s28+$0x40] =	vst v0;
	v0 =	vmul.f32 $8.000000000e+00, v3  }
0x49: {  	s29 =	sshll.u32 s26, $0xF;
	[tilespmem:s28+$0x50] =	vst v2;
	v2 =	vmul.f32 $8.000000000e+00, v4  }
0x4a: {  	s0 =	sadd.s32 s4, s29;
	v1 =	vmul.f32 $8.000000000e+00, v1;
	[tilespmem:s28+$0x60] =	vst v0  }
0x4b: {  	s0 =	sshrl.u32 s0, $0x3;
	[tilespmem:s28+$0x70] =	vst v2  }
0x4c: {  	p0 =	seq.s32 s26, $0x0;
	s0 =	sadd.s32 s2, s0;
	[tilespmem:s28+$0xFFFFFFF0] =	vst v1  }
0x4d: {  	[hbm4b:s0+s3] =	stream.linear.scatter [tilespmem:s12], [sflag:$0x5], $0x2000, $0x38;
	[tilespmem:$0xE400] =	vst v63  }
0x4e: {  	s0 =	simm.s32 @!p0 $0x8  }
0x4f: {  	s28 =	sshllo.u32 s26, $0x2;
	_ =	swait.ge @!p0 [sflag:s0], $0x2000  }
0x50: {  	s1 =	sshll.u32 s28, $0x7;
	[sflag:s0] =	ssyncset.done @!p0 $0x0  }
0x51: {  	s1 =	sand.u32 $0x3FFFFF80, s1;
	[sflag:s0] =	ssyncadd.s32 @!p0 $0xFFFFE000  }
0x52: {  	[tilespmem:s17], [sflag:$0x4] =	stream.indirect.gather [hbm4b:s5+s11], $0x40, s1, s11, $0xb8;
	[tilespmem:$0xE400] =	vst v63  }
0x53: {  	_ =	swait.ge [sflag:s18], $0x2000  }
0x54: {  	[sflag:s18] =	ssyncset.done $0x0  }
0x55: {  	s30 =	simm.s32 $0x8480;
	[sflag:s18] =	ssyncadd.s32 $0xFFFFE000  }
0x56: {  	v0 =	vld [tilespmem:s30+$0xFFFFFF80]  }
0x57: {  	v1 =	vld [tilespmem:s30+$0xFFFFFF90]  }
0x58: {  	v2 =	vld [tilespmem:s30+$0xFFFFFFA0]  }
0x59: {  	v3 =	vld [tilespmem:s30+$0xFFFFFFB0]  }
0x5a: {  	v4 =	vld [tilespmem:s30+$0xFFFFFFC0]  }
0x5b: {  	v5 =	vld [tilespmem:s30+$0xFFFFFFD0];
	v0 =	vmul.f32 $8.000000000e+00, v0  }
0x5c: {  	v6 =	vld [tilespmem:s30+$0xFFFFFFE0];
	v1 =	vmul.f32 $8.000000000e+00, v1  }
0x5d: {  	[tilespmem:s30+$0xFFFFFF80] =	vst v0;
	v0 =	vmul.f32 $8.000000000e+00, v2;
	v2 =	vld [tilespmem:s30+$0x0]  }
0x5e: {  	[tilespmem:s30+$0xFFFFFF90] =	vst v1;
	v1 =	vmul.f32 $8.000000000e+00, v3;
	v3 =	vld [tilespmem:s30+$0x10]  }
0x5f: {  	[tilespmem:s30+$0xFFFFFFA0] =	vst v0;
	v0 =	vmul.f32 $8.000000000e+00, v4;
	v4 =	vld [tilespmem:s30+$0x20]  }
0x60: {  	v7 =	vld [tilespmem:s30+$0x30];
	[tilespmem:s30+$0xFFFFFFB0] =	vst v1;
	v1 =	vmul.f32 $8.000000000e+00, v5  }
0x61: {  	v5 =	vmul.f32 $8.000000000e+00, v6;
	[tilespmem:s30+$0xFFFFFFC0] =	vst v0;
	v0 =	vld [tilespmem:s30+$0x40]  }
0x62: {  	[tilespmem:s30+$0xFFFFFFD0] =	vst v1;
	v1 =	vld [tilespmem:s30+$0x50];
	v2 =	vmul.f32 $8.000000000e+00, v2  }
0x63: {  	[tilespmem:s30+$0xFFFFFFE0] =	vst v5;
	v6 =	vmul.f32 $8.000000000e+00, v3;
	v3 =	vld [tilespmem:s30+$0x60]  }
0x64: {  	[tilespmem:s30+$0x0] =	vst v2;
	v5 =	vmul.f32 $8.000000000e+00, v4;
	v4 =	vld [tilespmem:s30+$0x70]  }
0x65: {  	s31 =	simm.s32 $0x0;
	s1 =	simm.s32 $0x8580;
	v2 =	vld [tilespmem:s30+$0xFFFFFFF0];
	[tilespmem:s30+$0x10] =	vst v6;
	v6 =	vmul.f32 $8.000000000e+00, v7  }
.LBB2_5:
0x66: {  	v7 =	vld [tilespmem:s1+$0xFFFFFF80];
	[tilespmem:s30+$0x20] =	vst v5;
	v0 =	vmul.f32 $8.000000000e+00, v0  }
0x67: {  	v5 =	vld [tilespmem:s1+$0xFFFFFF90];
	[tilespmem:s30+$0x30] =	vst v6;
	v1 =	vmul.f32 $8.000000000e+00, v1  }
0x68: {  	v6 =	vld [tilespmem:s1+$0xFFFFFFA0];
	[tilespmem:s30+$0x40] =	vst v0;
	v0 =	vmul.f32 $8.000000000e+00, v3  }
0x69: {  	v3 =	vld [tilespmem:s1+$0xFFFFFFB0];
	[tilespmem:s30+$0x50] =	vst v1;
	v1 =	vmul.f32 $8.000000000e+00, v4  }
0x6a: {  	v4 =	vld [tilespmem:s1+$0xFFFFFFC0];
	v2 =	vmul.f32 $8.000000000e+00, v2;
	[tilespmem:s30+$0x60] =	vst v0  }
0x6b: {  	v0 =	vmul.f32 $8.000000000e+00, v7;
	v7 =	vld [tilespmem:s1+$0xFFFFFFD0];
	[tilespmem:s30+$0x70] =	vst v1  }
0x6c: {  	v1 =	vmul.f32 $8.000000000e+00, v5;
	v5 =	vld [tilespmem:s1+$0xFFFFFFE0];
	[tilespmem:s30+$0xFFFFFFF0] =	vst v2;
	s30 =	smov.u32 s1  }
0x6d: {  	[tilespmem:s1+$0xFFFFFF80] =	vst v0;
	v0 =	vmul.f32 $8.000000000e+00, v6;
	v2 =	vld [tilespmem:s1+$0x0]  }
0x6e: {  	[tilespmem:s1+$0xFFFFFF90] =	vst v1;
	v1 =	vmul.f32 $8.000000000e+00, v3;
	v3 =	vld [tilespmem:s1+$0x10]  }
0x6f: {  	s31 =	sadd.s32 $0x4, s31;
	[tilespmem:s1+$0xFFFFFFA0] =	vst v0;
	v0 =	vmul.f32 $8.000000000e+00, v4;
	v4 =	vld [tilespmem:s1+$0x20]  }
0x70: {  	p0 =	slt.u32 s31, $0x7C;
	[tilespmem:s1+$0xFFFFFFB0] =	vst v1;
	v1 =	vmul.f32 $8.000000000e+00, v7;
	v6 =	vld [tilespmem:s1+$0x30]  }
.Ltmp3:
0x71: {  	[tilespmem:s1+$0xFFFFFFC0] =	vst v0;
	v5 =	vmul.f32 $8.000000000e+00, v5;
	v0 =	vld [tilespmem:s1+$0x40];
	(pc) =	sbr.rel @p0 .LBB2_5-.Ltmp3, $4  }
0x72: {  	[tilespmem:s1+$0xFFFFFFD0] =	vst v1;
	v2 =	vmul.f32 $8.000000000e+00, v2;
	v1 =	vld [tilespmem:s1+$0x50]  }
0x73: {  	[tilespmem:s1+$0xFFFFFFE0] =	vst v5;
	v7 =	vmul.f32 $8.000000000e+00, v3;
	v3 =	vld [tilespmem:s1+$0x60]  }
0x74: {  	[tilespmem:s1+$0x0] =	vst v2;
	v5 =	vmul.f32 $8.000000000e+00, v4;
	v4 =	vld [tilespmem:s1+$0x70]  }
0x75: {  	s1 =	sadd.s32 $0x100, s1;
	v2 =	vld [tilespmem:s30+$0xFFFFFFF0];
	[tilespmem:s30+$0x10] =	vst v7;
	v6 =	vmul.f32 $8.000000000e+00, v6  }
0x76: {  	[tilespmem:s30+$0x20] =	vst v5;
	v0 =	vmul.f32 $8.000000000e+00, v0  }
0x77: {  	[tilespmem:s30+$0x30] =	vst v6;
	v1 =	vmul.f32 $8.000000000e+00, v1  }
0x78: {  	[tilespmem:s30+$0x40] =	vst v0;
	v0 =	vmul.f32 $8.000000000e+00, v3  }
0x79: {  	[tilespmem:s30+$0x50] =	vst v1;
	v1 =	vmul.f32 $8.000000000e+00, v4  }
0x7a: {  	s0 =	sadd.s32 s29, s7;
	v2 =	vmul.f32 $8.000000000e+00, v2;
	[tilespmem:s30+$0x60] =	vst v0  }
0x7b: {  	s0 =	sshrl.u32 s0, $0x3;
	[tilespmem:s30+$0x70] =	vst v1  }
0x7c: {  	p0 =	seq.s32 s26, $0x31;
	s0 =	sadd.s32 s2, s0;
	[tilespmem:s30+$0xFFFFFFF0] =	vst v2  }
0x7d: {  	[hbm4b:s0+s3] =	stream.linear.scatter [tilespmem:s13], [sflag:$0x6], $0x2000, $0x38;
	[tilespmem:$0xE400] =	vst v63  }
0x7e: {  	s0 =	simm.s32 @!p0 $0x5  }
0x7f: {  	s1 =	sshll.u32 @!p0 s26, $0x9;
	_ =	swait.ge @!p0 [sflag:s0], $0x2000  }
0x80: {  	s31 =	simm.s32 @!p0 $0x6400;
	s30 =	sand.u32 @!p0 $0x3FFFFE00, s1;
	[sflag:s0] =	ssyncset.done @!p0 $0x0  }
0x81: {  	s1 =	simm.s32 @!p0 $0x80;
	[sflag:s0] =	ssyncadd.s32 @!p0 $0xFFFFE000;
	s0 =	sadd.s32 @!p0 $0x200, s30  }
0x82: {  	[tilespmem:s31], [sflag:$0x1] =	stream.indirect.gather @!p0 [hbm4b:s5+s1], $0x40, s0, s1, $0xb8;
	[tilespmem:$0xE400] =	vst v63  }
0x83: {  	_ =	swait.ge [sflag:s19], $0x2000  }
0x84: {  	[sflag:s19] =	ssyncset.done $0x0  }
0x85: {  	s31 =	simm.s32 $0xA480;
	[sflag:s19] =	ssyncadd.s32 $0xFFFFE000  }
0x86: {  	v0 =	vld [tilespmem:s31+$0xFFFFFF80]  }
0x87: {  	v1 =	vld [tilespmem:s31+$0xFFFFFF90]  }
0x88: {  	v2 =	vld [tilespmem:s31+$0xFFFFFFA0]  }
0x89: {  	v3 =	vld [tilespmem:s31+$0xFFFFFFB0]  }
0x8a: {  	v4 =	vld [tilespmem:s31+$0xFFFFFFC0]  }
0x8b: {  	v5 =	vld [tilespmem:s31+$0xFFFFFFD0];
	v0 =	vmul.f32 $8.000000000e+00, v0  }
0x8c: {  	v6 =	vld [tilespmem:s31+$0xFFFFFFE0];
	v1 =	vmul.f32 $8.000000000e+00, v1  }
0x8d: {  	[tilespmem:s31+$0xFFFFFF80] =	vst v0;
	v0 =	vmul.f32 $8.000000000e+00, v2;
	v2 =	vld [tilespmem:s31+$0x0]  }
0x8e: {  	[tilespmem:s31+$0xFFFFFF90] =	vst v1;
	v1 =	vmul.f32 $8.000000000e+00, v3;
	v3 =	vld [tilespmem:s31+$0x10]  }
0x8f: {  	[tilespmem:s31+$0xFFFFFFA0] =	vst v0;
	v0 =	vmul.f32 $8.000000000e+00, v4;
	v4 =	vld [tilespmem:s31+$0x20]  }
0x90: {  	v7 =	vld [tilespmem:s31+$0x30];
	[tilespmem:s31+$0xFFFFFFB0] =	vst v1;
	v1 =	vmul.f32 $8.000000000e+00, v5  }
0x91: {  	v5 =	vmul.f32 $8.000000000e+00, v6;
	[tilespmem:s31+$0xFFFFFFC0] =	vst v0;
	v0 =	vld [tilespmem:s31+$0x40]  }
0x92: {  	[tilespmem:s31+$0xFFFFFFD0] =	vst v1;
	v1 =	vld [tilespmem:s31+$0x50];
	v2 =	vmul.f32 $8.000000000e+00, v2  }
0x93: {  	[tilespmem:s31+$0xFFFFFFE0] =	vst v5;
	v6 =	vmul.f32 $8.000000000e+00, v3;
	v3 =	vld [tilespmem:s31+$0x60]  }
0x94: {  	[tilespmem:s31+$0x0] =	vst v2;
	v5 =	vmul.f32 $8.000000000e+00, v4;
	v4 =	vld [tilespmem:s31+$0x70]  }
0x95: {  	s1 =	simm.s32 $0x0;
	s0 =	simm.s32 $0xA580;
	v2 =	vld [tilespmem:s31+$0xFFFFFFF0];
	[tilespmem:s31+$0x10] =	vst v6;
	v6 =	vmul.f32 $8.000000000e+00, v7  }
.LBB2_7:
0x96: {  	v7 =	vld [tilespmem:s0+$0xFFFFFF80];
	[tilespmem:s31+$0x20] =	vst v5;
	v0 =	vmul.f32 $8.000000000e+00, v0  }
0x97: {  	v5 =	vld [tilespmem:s0+$0xFFFFFF90];
	[tilespmem:s31+$0x30] =	vst v6;
	v1 =	vmul.f32 $8.000000000e+00, v1  }
0x98: {  	v6 =	vld [tilespmem:s0+$0xFFFFFFA0];
	[tilespmem:s31+$0x40] =	vst v0;
	v0 =	vmul.f32 $8.000000000e+00, v3  }
0x99: {  	v3 =	vld [tilespmem:s0+$0xFFFFFFB0];
	[tilespmem:s31+$0x50] =	vst v1;
	v1 =	vmul.f32 $8.000000000e+00, v4  }
0x9a: {  	v4 =	vld [tilespmem:s0+$0xFFFFFFC0];
	v2 =	vmul.f32 $8.000000000e+00, v2;
	[tilespmem:s31+$0x60] =	vst v0  }
0x9b: {  	v0 =	vmul.f32 $8.000000000e+00, v7;
	v7 =	vld [tilespmem:s0+$0xFFFFFFD0];
	[tilespmem:s31+$0x70] =	vst v1  }
0x9c: {  	v1 =	vmul.f32 $8.000000000e+00, v5;
	v5 =	vld [tilespmem:s0+$0xFFFFFFE0];
	[tilespmem:s31+$0xFFFFFFF0] =	vst v2;
	s31 =	smov.u32 s0  }
0x9d: {  	[tilespmem:s0+$0xFFFFFF80] =	vst v0;
	v0 =	vmul.f32 $8.000000000e+00, v6;
	v2 =	vld [tilespmem:s0+$0x0]  }
0x9e: {  	[tilespmem:s0+$0xFFFFFF90] =	vst v1;
	v1 =	vmul.f32 $8.000000000e+00, v3;
	v3 =	vld [tilespmem:s0+$0x10]  }
0x9f: {  	s1 =	sadd.s32 $0x4, s1;
	[tilespmem:s0+$0xFFFFFFA0] =	vst v0;
	v0 =	vmul.f32 $8.000000000e+00, v4;
	v4 =	vld [tilespmem:s0+$0x20]  }
0xa0: {  	p1 =	slt.u32 s1, $0x7C;
	[tilespmem:s0+$0xFFFFFFB0] =	vst v1;
	v1 =	vmul.f32 $8.000000000e+00, v7;
	v6 =	vld [tilespmem:s0+$0x30]  }
.Ltmp4:
0xa1: {  	[tilespmem:s0+$0xFFFFFFC0] =	vst v0;
	v5 =	vmul.f32 $8.000000000e+00, v5;
	v0 =	vld [tilespmem:s0+$0x40];
	(pc) =	sbr.rel @p1 .LBB2_7-.Ltmp4, $4  }
0xa2: {  	[tilespmem:s0+$0xFFFFFFD0] =	vst v1;
	v2 =	vmul.f32 $8.000000000e+00, v2;
	v1 =	vld [tilespmem:s0+$0x50]  }
0xa3: {  	[tilespmem:s0+$0xFFFFFFE0] =	vst v5;
	v7 =	vmul.f32 $8.000000000e+00, v3;
	v3 =	vld [tilespmem:s0+$0x60]  }
0xa4: {  	[tilespmem:s0+$0x0] =	vst v2;
	v5 =	vmul.f32 $8.000000000e+00, v4;
	v4 =	vld [tilespmem:s0+$0x70]  }
0xa5: {  	s0 =	sadd.s32 $0x100, s0;
	v2 =	vld [tilespmem:s31+$0xFFFFFFF0];
	[tilespmem:s31+$0x10] =	vst v7;
	v6 =	vmul.f32 $8.000000000e+00, v6  }
0xa6: {  	[tilespmem:s31+$0x20] =	vst v5;
	v0 =	vmul.f32 $8.000000000e+00, v0  }
0xa7: {  	[tilespmem:s31+$0x30] =	vst v6;
	v1 =	vmul.f32 $8.000000000e+00, v1  }
0xa8: {  	[tilespmem:s31+$0x40] =	vst v0;
	v0 =	vmul.f32 $8.000000000e+00, v3  }
0xa9: {  	[tilespmem:s31+$0x50] =	vst v1;
	v1 =	vmul.f32 $8.000000000e+00, v4  }
0xaa: {  	s0 =	sadd.s32 s29, s8;
	v2 =	vmul.f32 $8.000000000e+00, v2;
	[tilespmem:s31+$0x60] =	vst v0  }
0xab: {  	s0 =	sshrl.u32 s0, $0x3;
	[tilespmem:s31+$0x70] =	vst v1  }
0xac: {  	s0 =	sadd.s32 s2, s0;
	[tilespmem:s31+$0xFFFFFFF0] =	vst v2  }
0xad: {  	[hbm4b:s0+s3] =	stream.linear.scatter [tilespmem:s15], [sflag:$0x7], $0x2000, $0x38;
	[tilespmem:$0xE400] =	vst v63  }
0xae: {  	s0 =	simm.s32 @!p0 $0x6  }
0xaf: {  	_ =	swait.ge @!p0 [sflag:s0], $0x2000  }
0xb0: {  	s1 =	simm.s32 @!p0 $0x80;
	[sflag:s0] =	ssyncset.done @!p0 $0x0  }
0xb1: {  	s29 =	simm.s32 @!p0 $0x8400;
	[sflag:s0] =	ssyncadd.s32 @!p0 $0xFFFFE000;
	s0 =	sadd.s32 @!p0 $0x280, s30  }
0xb2: {  	[tilespmem:s29], [sflag:$0x2] =	stream.indirect.gather @!p0 [hbm4b:s5+s1], $0x40, s0, s1, $0xb8;
	[tilespmem:$0xE400] =	vst v63  }
0xb3: {  	_ =	swait.ge [sflag:s20], $0x2000  }
0xb4: {  	[sflag:s20] =	ssyncset.done $0x0  }
0xb5: {  	s29 =	simm.s32 $0xC480;
	[sflag:s20] =	ssyncadd.s32 $0xFFFFE000  }
0xb6: {  	v0 =	vld [tilespmem:s29+$0xFFFFFF80]  }
0xb7: {  	v1 =	vld [tilespmem:s29+$0xFFFFFF90]  }
0xb8: {  	v2 =	vld [tilespmem:s29+$0xFFFFFFA0]  }
0xb9: {  	v3 =	vld [tilespmem:s29+$0xFFFFFFB0]  }
0xba: {  	v4 =	vld [tilespmem:s29+$0xFFFFFFC0]  }
0xbb: {  	v5 =	vld [tilespmem:s29+$0xFFFFFFD0];
	v0 =	vmul.f32 $8.000000000e+00, v0  }
0xbc: {  	v6 =	vld [tilespmem:s29+$0xFFFFFFE0];
	v1 =	vmul.f32 $8.000000000e+00, v1  }
0xbd: {  	[tilespmem:s29+$0xFFFFFF80] =	vst v0;
	v0 =	vmul.f32 $8.000000000e+00, v2;
	v2 =	vld [tilespmem:s29+$0x0]  }
0xbe: {  	[tilespmem:s29+$0xFFFFFF90] =	vst v1;
	v1 =	vmul.f32 $8.000000000e+00, v3;
	v3 =	vld [tilespmem:s29+$0x10]  }
0xbf: {  	[tilespmem:s29+$0xFFFFFFA0] =	vst v0;
	v0 =	vmul.f32 $8.000000000e+00, v4;
	v4 =	vld [tilespmem:s29+$0x20]  }
0xc0: {  	v7 =	vld [tilespmem:s29+$0x30];
	[tilespmem:s29+$0xFFFFFFB0] =	vst v1;
	v1 =	vmul.f32 $8.000000000e+00, v5  }
0xc1: {  	v5 =	vmul.f32 $8.000000000e+00, v6;
	[tilespmem:s29+$0xFFFFFFC0] =	vst v0;
	v0 =	vld [tilespmem:s29+$0x40]  }
0xc2: {  	[tilespmem:s29+$0xFFFFFFD0] =	vst v1;
	v1 =	vmul.f32 $8.000000000e+00, v2;
	v2 =	vld [tilespmem:s29+$0x50]  }
0xc3: {  	[tilespmem:s29+$0xFFFFFFE0] =	vst v5;
	v6 =	vmul.f32 $8.000000000e+00, v3;
	v3 =	vld [tilespmem:s29+$0x60]  }
0xc4: {  	[tilespmem:s29+$0x0] =	vst v1;
	v5 =	vmul.f32 $8.000000000e+00, v4;
	v4 =	vld [tilespmem:s29+$0x70]  }
0xc5: {  	s1 =	simm.s32 $0x0;
	s0 =	simm.s32 $0xC580;
	v1 =	vld [tilespmem:s29+$0xFFFFFFF0];
	[tilespmem:s29+$0x10] =	vst v6;
	v6 =	vmul.f32 $8.000000000e+00, v7  }
.LBB2_9:
0xc6: {  	v7 =	vld [tilespmem:s0+$0xFFFFFF80];
	[tilespmem:s29+$0x20] =	vst v5;
	v0 =	vmul.f32 $8.000000000e+00, v0  }
0xc7: {  	v5 =	vld [tilespmem:s0+$0xFFFFFF90];
	[tilespmem:s29+$0x30] =	vst v6;
	v2 =	vmul.f32 $8.000000000e+00, v2  }
0xc8: {  	v6 =	vld [tilespmem:s0+$0xFFFFFFA0];
	[tilespmem:s29+$0x40] =	vst v0;
	v0 =	vmul.f32 $8.000000000e+00, v3  }
0xc9: {  	v3 =	vld [tilespmem:s0+$0xFFFFFFB0];
	[tilespmem:s29+$0x50] =	vst v2;
	v2 =	vmul.f32 $8.000000000e+00, v4  }
0xca: {  	v4 =	vld [tilespmem:s0+$0xFFFFFFC0];
	v1 =	vmul.f32 $8.000000000e+00, v1;
	[tilespmem:s29+$0x60] =	vst v0  }
0xcb: {  	v0 =	vmul.f32 $8.000000000e+00, v7;
	v7 =	vld [tilespmem:s0+$0xFFFFFFD0];
	[tilespmem:s29+$0x70] =	vst v2  }
0xcc: {  	v2 =	vmul.f32 $8.000000000e+00, v5;
	v5 =	vld [tilespmem:s0+$0xFFFFFFE0];
	[tilespmem:s29+$0xFFFFFFF0] =	vst v1;
	s29 =	smov.u32 s0  }
0xcd: {  	[tilespmem:s0+$0xFFFFFF80] =	vst v0;
	v0 =	vmul.f32 $8.000000000e+00, v6;
	v1 =	vld [tilespmem:s0+$0x0]  }
0xce: {  	[tilespmem:s0+$0xFFFFFF90] =	vst v2;
	v2 =	vmul.f32 $8.000000000e+00, v3;
	v3 =	vld [tilespmem:s0+$0x10]  }
0xcf: {  	s1 =	sadd.s32 $0x4, s1;
	[tilespmem:s0+$0xFFFFFFA0] =	vst v0;
	v0 =	vmul.f32 $8.000000000e+00, v4;
	v4 =	vld [tilespmem:s0+$0x20]  }
0xd0: {  	p1 =	slt.u32 s1, $0x7C;
	[tilespmem:s0+$0xFFFFFFB0] =	vst v2;
	v2 =	vmul.f32 $8.000000000e+00, v7;
	v6 =	vld [tilespmem:s0+$0x30]  }
.Ltmp5:
0xd1: {  	[tilespmem:s0+$0xFFFFFFC0] =	vst v0;
	v5 =	vmul.f32 $8.000000000e+00, v5;
	v0 =	vld [tilespmem:s0+$0x40];
	(pc) =	sbr.rel @p1 .LBB2_9-.Ltmp5, $4  }
0xd2: {  	[tilespmem:s0+$0xFFFFFFD0] =	vst v2;
	v1 =	vmul.f32 $8.000000000e+00, v1;
	v2 =	vld [tilespmem:s0+$0x50]  }
0xd3: {  	[tilespmem:s0+$0xFFFFFFE0] =	vst v5;
	v7 =	vmul.f32 $8.000000000e+00, v3;
	v3 =	vld [tilespmem:s0+$0x60]  }
0xd4: {  	[tilespmem:s0+$0x0] =	vst v1;
	v5 =	vmul.f32 $8.000000000e+00, v4;
	v4 =	vld [tilespmem:s0+$0x70]  }
0xd5: {  	s0 =	sadd.s32 $0x100, s0;
	v1 =	vld [tilespmem:s29+$0xFFFFFFF0];
	[tilespmem:s29+$0x10] =	vst v7;
	v6 =	vmul.f32 $8.000000000e+00, v6  }
0xd6: {  	[tilespmem:s29+$0x20] =	vst v5;
	v0 =	vmul.f32 $8.000000000e+00, v0  }
0xd7: {  	[tilespmem:s29+$0x30] =	vst v6;
	v2 =	vmul.f32 $8.000000000e+00, v2  }
0xd8: {  	[tilespmem:s29+$0x40] =	vst v0;
	v62 =	vmul.f32 $8.000000000e+00, v3  }
.Ltmp6:
0xd9: {  	s0 =	sshll.u32 s28, $0xD;
	[tilespmem:s29+$0x50] =	vst v2;
	v63 =	vmul.f32 $8.000000000e+00, v4;
	(pc) =	sbr.rel @p0 .LBB2_12-.Ltmp6, $4  }
0xda: {  	s0 =	sadd.s32 s4, s0;
	v1 =	vmul.f32 $8.000000000e+00, v1;
	[tilespmem:s29+$0x60] =	vst v62  }
0xdb: {  	s0 =	sshrl.u32 s0, $0x3;
	[tilespmem:s29+$0x70] =	vst v63  }
0xdc: {  	s0 =	sadd.s32 s2, s0;
	[tilespmem:s29+$0xFFFFFFF0] =	vst v1  }
0xdd: {  	[hbm4b:s0+s3] =	stream.linear.scatter [tilespmem:s17], [sflag:$0x8], $0x2000, $0x38;
	[tilespmem:$0xE400] =	vst v63  }
.Ltmp7:
0xde: {  	(pc) =	sbr.rel .LBB2_2-.Ltmp7, $4  }
0xdf: {  	_ =	swait.ge [sflag:s23], $0x2000;
	s0 =	sshll.u32 s26, $0x9  }
0xe0: {  	[sflag:s23] =	ssyncset.done $0x0;
	s0 =	sand.u32 $0x3FFFFE00, s0  }
0xe1: {  	s26 =	sadd.s32 $0x1, s26;
	[sflag:s23] =	ssyncadd.s32 $0xFFFFE000;
	s0 =	sadd.s32 $0x300, s0  }
0xe2: {  	[tilespmem:s15], [sflag:$0x3] =	stream.indirect.gather [hbm4b:s5+s11], $0x40, s0, s11, $0xb8;
	[tilespmem:$0xE400] =	vst v63  }
.LBB2_13:
0xe3: {  	_ =	sfence.sel $0x180000  }
0xe4: {  	[bflag:$0x0] =	sbarrier.arrive $0xFFFF  }
0xe5: {  	_ =	strace $0x90000047  }
0xe6: {  	s0 =	stileid.u32;
	[bflag:$0x2] =	sbarrier.arrive $0xFFFF  }
0xe7: {  	p0 =	sne.s32 s0, $0x0;
	s0 =	rddreg [dreg:$0x3]  }
0xe8: {  	s0 =	sadd.s32 @!p0 $0x100000, s0  }
0xe9: {  	[sflag:s0] =	ssyncadd.tile.s32 @!p0 $0x1;
	_ =	shalt  }
.Lfunc_end2:
_tile_overlayer_lowered:
.L_overlay_start_2:
0xea: {  	(tag) =	ssettag $0x2  }
0xeb: {  	s0 =	rddreg [dreg:$0x0];
	s2 =	stileid.u32  }
0xec: {  	s1 =	rddreg [dreg:$0x1];
	p0 =	sne.s32 s2, $0x0  }
0xed: {  	s3 =	rddreg [dreg:$0x2];
	[bflag:$0x3] =	sbarrier.arrive $0xFFFF;
	s2 =	simm.s32 @!p0 $0x1C09  }
0xee: {  	[timem:s3], [sflag:s2] =	dma.local @!p0 [hbm:s0], s1  }
0xef: {  	s0 =	simm.s32 @!p0 $0x9  }
0xf0: {  	_ =	swait.ge @!p0 [sflag:s0], s1  }
0xf1: {  	s1 =	ssub.s32 @!p0 $0x0, s1;
	[sflag:s0] =	ssyncset.done @!p0 $0x0  }
0xf2: {  	[sflag:s0] =	ssyncadd.s32 @!p0 s1  }
0xf3: {  	[bflag:$0x3] =	sbarrier.arrive $0xFFFF  }
0xf4: {  	_ =	shalt  }

// kernel: sparse-core-data-format-call.cloned.1.call-start
scs
called_computation_lowered:
.L_overlay_start_0:
0x0: {  	s2 =	sld [smem:$0x3FD9]  }
0x1: {  	s3 =	sld [smem:$0x3FFE];
	_ =	sdelay $0x1  }
0x2: {  	s1 =	srdreg.scid  }
0x3: {  	s0 =	sand.u32 $0x1, s1  }
0x4: {  	s18 =	sshll.u32 s0, $0xA;
	s2 =	sadd.s32 s3, s2  }
0x5: {  	s2 =	sadd.s32 s2, s18  }
0x6: {  	[smem:$0x3FC6] =	sst s2  }
0x7: {  	_ = 	snop  }
0x8: {  	s2 =	sld [smem:$0x3FD0];
	(tm) =	ssettm $0x1  }
0x9: {  	s19 =	sld [smem:$0x3FFB];
	_ =	sdelay $0x3  }
0xa: {  	_ =	strace s19  }
0xb: {  	s3 =	sld [smem:$0x3FFC];
	_ =	sdelay $0x3  }
0xc: {  	_ =	strace s3  }
0xd: {  	s3 =	sld [smem:$0x3FFD];
	_ =	sdelay $0x3  }
0xe: {  	_ =	strace s3  }
0xf: {  	_ =	strace $0x8FFFFFFF  }
0x10: {  	s20 =	sld [smem:$0x3FDB];
	_ =	sdelay $0x1  }
0x11: {  	s4 =	simm.s32 $_scs_section_size  }
0x12: {  	s5 =	simm.s32 $_size__tile_overlayer_lowered;
	s6 =	simm.s32 $_tile_overlayer_lowered  }
0x13: {  	s23 =	simm.s32 $0x1BFF;
	s22 =	sshll.u32 s6, $0x1;
	s3 =	sadd.s32 s4, s20  }
0x14: {  	s7 =	simm.s32 $0x0;
	s21 =	sshll.u32 s5, $0x1;
	s5 =	sadd.s32 s22, s3  }
0x15: {  	[timem:s7], [sflag:s23] =	dma.local [hbm:s5], s21  }
0x16: {  	_ =	swait.ge [sflag:s23], s21  }
0x17: {  	s4 =	ssub.s32 $0x0, s21;
	[sflag:s23] =	ssyncset.done $0x0  }
0x18: {  	[sflag:s23] =	ssyncadd.s32 s4;
	_ =	sdelay $0x1  }
0x19: {  	s24 =	simm.s32 $0x1B8B  }
0x1a: {  	_ =	swait.ge [sflag:s24], $0x1  }
0x1b: {  	[sflag:s24] =	ssyncset.done $0x0  }
0x1c: {  	s26 =	simm.s32 $0x1B8E;
	s25 =	sld [smem:$0x3FFE];
	[sflag:s24] =	ssyncadd.s32 $0xFFFFFFFF  }
0x1d: {  	s27 =	simm.s32 $execute0_lowered;
	[smem:$0x3FD2] =	sst s26  }
0x1e: {  	s5 =	sshll.u32 s27, $0x1;
	_ =	strace $0x80000049;
	[dreg:$0x1] =	wrdreg $0xFFFFFFFF  }
0x1f: {  	s28 =	simm.s32 $_size_execute0_lowered;
	s3 =	sadd.s32 s3, s5;
	[dreg:$0x0] =	wrdreg $0x0  }
0x20: {  	s5 =	sshll.u32 s28, $0x1;
	[dreg:$0x2] =	wrdreg s3  }
0x21: {  	[dreg:$0x3] =	wrdreg s5  }
0x22: {  	[dreg:$0x4] =	wrdreg $0xC0  }
0x23: {  	_ =	task [dreg:s7], $0x5FFFF  }
0x24: {  	[dreg:$0x1] =	wrdreg $0xFFFFFFFF  }
0x25: {  	[dreg:$0x0] =	wrdreg $0x60  }
0x26: {  	[dreg:$0x2] =	wrdreg s25  }
0x27: {  	[dreg:$0x3] =	wrdreg s2  }
0x28: {  	[dreg:$0x4] =	wrdreg $0x9  }
0x29: {  	_ =	task.clear_ibuf [dreg:s7], $0x5FFFF;
	_ =	strace $0x90000049  }
0x2a: {  	s29 =	simm.s32 $0x9;
	_ =	strace $0x8000004B  }
0x2b: {  	_ =	swait.ge [sflag:s29], $0x1  }
0x2c: {  	[sflag:s29] =	ssyncadd.s32 $0xFFFFFFFF  }
0x2d: {  	_ =	strace $0x9000004B  }
0x2e: {  	_ =	sfence  }
0x2f: {  	s30 =	sld [smem:$0x0];
	_ =	sdelay $0x2  }
0x30: {  	s31 =	sshll.u32 s1, $0xD;
	s1 =	sshrl.u32 s1, $0x2  }
0x31: {  	s3 =	sand.u32 $0x4000, s31;
	s1 =	sadd.s32 s1, s30  }
0x32: {  	s0 =	sor.u32 s3, s0;
	s1 =	sshll.u32 s1, $0x11  }
0x33: {  	s0 =	sor.u32 s1, s0  }
0x34: {  	s0 =	sadd.s32 $0x8F2B, s0  }
0x35: {  	[sflag:s0] =	ssyncadd.remote.s32 $0x1  }
0x36: {  	_ =	sfence.sel $0xFFFF  }
0x37: {  	[dreg:$0x0] =	wrdreg $0xFFFFFFFF;
	(pc) =	sbr.abs _section_cstart, $3  }
0x38: {  	[dreg:$0x1] =	wrdreg $0xFFFFFFFF  }
0x39: {  	_ =	task.clear_ibuf [dreg:s7], $0x2FFFF;
	_ =	strace $0x9FFFFFFF  }
0x3a: {  	(tm) =	ssettm $0x7FFFFFFF  }
0x3b: {  	_ =	shalt  }
tec
execute0_lowered:
.L_overlay_start_1:
0x0: {  	(tag) =	ssettag $0x1  }
0x1: {  	s0 =	srdreg.scid  }
0x2: {  	s1 =	sshll.u32 s0, $0x4  }
0x3: {  	s4 =	rddreg [dreg:$0x0];
	s0 =	stileid.u32;
	s1 =	sand.u32 $0x10, s1  }
0x4: {  	s2 =	rddreg [dreg:$0x1];
	s7 =	simm.s32 $0x1;
	s1 =	sor.u32 s0, s1  }
0x5: {  	s8 =	simm.s32 $0x2;
	s11 =	simm.s32 $0x0;
	s3 =	sshll.u32 s1, $0x7  }
0x6: {  	s10 =	simm.s32 $0x0;
	s4 =	sadd.s32 $0x800, s4;
	s6 =	ssub.s32 $0xC8000, s3  }
.Ltmp0:
0x7: {  	s1 =	rddreg [dreg:$0x2];
	s5 =	sand.u32 $0xF80, s6;
	(pc) =	sbr.rel .LBB1_1-.Ltmp0, $4  }
0x8: {  	_ =	strace $0x8000004A;
	s9 =	smov.u32 s3;
	p0 =	sne.s32 s5, $0x0  }
0x9: {  	s6 =	sshrl.u32 s6, $0xC;
	s5 =	simm.s32 $0x1;
	s7 =	simm.s32 @!p0 $0x0  }
0xa: {  	[sflag:s5] =	ssyncpa.u1 $0x0;
	p0 =	por $0x0, $0x0;
	s6 =	sadd.s32 s7, s6  }
0xb: {  	[sflag:s8] =	ssyncpa.u1 $0x0;
	s8 =	simm.s32 $0x640000;
	s7 =	sadd.s32 $0x1, s6  }
.LBB1_4:
0xc: {  	s14 =	sshll.u32 s11, $0x3  }
0xd: {  	s30 =	sand.u32 $0x7F, s11;
	s15 =	sand.u32 $0xFFFFFC00, s14  }
0xe: {  	s11 =	sor.u32 s30, s15  }
0xf: {  	s15 =	smulhi.u32 $0x51EB851F, s11  }
0x10: {  	s14 =	smulhi.u32 $0x51EB851F, s14  }
0x11: {  	s15 =	sshrl.u32 s15, $0x12  }
0x12: {  	s14 =	sshrl.u32 s14, $0x12;
	s15 =	smul.u32 $0xC8000, s15  }
0x13: {  	s14 =	sand.u32 $0x3F, s14  }
0x14: {  	s14 =	smul.u32 $0x19000, s14;
	s11 =	ssub.s32 s11, s15  }
0x15: {  	[tilespmem:s13+$0x810 ss:$0x81] =	vst.msk $0xffff, v2;
	s15 =	sand.u32 $0x7, s11  }
0x16: {  	[tilespmem:s13+$0x1020 ss:$0x81] =	vst.msk $0xffff, v0;
	s14 =	sadd.s32 s2, s14;
	s11 =	sshrl.u32 s11, $0x3;
	s15 =	sshll.u32 s15, $0x12  }
0x17: {  	[tilespmem:s13+$0x0 ss:$0x81] =	vst.msk $0xffff, v1;
	s11 =	sadd.s32 s11, s14;
	s31 =	sor.u32 $0x400, s15  }
0x18: {  	[hbm4b:s11+s31] =	stream.strided.scatter [tilespmem:s12], [sflag:$0x2], $0x2000, s8, s31, $0x20;
	[tilespmem:$0x8080] =	vst v63  }
.LBB1_5:
0x19: {  	s13 =	sadd.s32 $0x1000, s9  }
0x1a: {  	p2 =	sgt.s32 s13, $0xC7FFF  }
0x1b: {  	s13 =	smov.u32 @p2 s3;
	p2 =	sne.s32 s10, s7  }
.Ltmp1:
0x1c: {  	p1 =	slt.u32 s10, $0x2;
	(pc) =	sbr.rel @!p2 .LBB1_6-.Ltmp1, $4  }
0x1d: {  	s12 =	simm.s32 @!p1 $0x2  }
0x1e: {  	s14 =	sadd.s32 $0x1, s10;
	_ =	swait.ge @!p1 [sflag:s12], $0x2000  }
0x1f: {  	s11 =	smov.u32 s9;
	p0 =	por !p0, !p0;
	[sflag:s12] =	ssyncset.done @!p1 $0x0  }
0x20: {  	s10 =	smov.u32 s14;
	s9 =	smov.u32 s13;
	[sflag:s12] =	ssyncadd.s32 @!p1 $0xFFFFE000  }
.LBB1_1:
0x21: {  	p1 =	sge.u32 s10, s6  }
0x22: {  	s12 =	sand.u32 @!p1 $0x1FFFFFF, s9  }
0x23: {  	s13 =	smulhi.u32 @!p1 $0x147AE15, s12;
	_ =	sdelay $0x1  }
0x24: {  	s13 =	sshrl.u32 @!p1 s13, $0xC  }
0x25: {  	s13 =	smul.u32 @!p1 $0xC8000, s13;
	_ =	sdelay $0x1  }
0x26: {  	s31 =	sadd.s32 $0xFFFFFFFF, s10;
	s14 =	sxor.u32 @!p1 $0xFFFFFFFF, s10;
	s12 =	ssub.s32 @!p1 s12, s13  }
0x27: {  	s15 =	simm.s32 @!p1 $0x80;
	s14 =	sshll.u32 @!p1 s14, $0xD;
	s12 =	sshll.u32 @!p1 s12, $0x4  }
0x28: {  	s13 =	sand.u32 @!p1 $0x2000, s14;
	s14 =	simm.s32 @!p1 $0x40;
	s12 =	sadd.s32 @!p1 s4, s12  }
0x29: {  	[tilespmem:s13], [sflag:$0x1] =	stream.strided.gather @!p1 [hbm4b:s12+s14], $0x2000, s15, s14, $0x38;
	[tilespmem:$0x8080] =	vst v63  }
0x2a: {  	p1 =	sge.u32 s31, s6  }
.Ltmp2:
0x2b: {  	_ = 	snop;
	(pc) =	sbr.rel @p1 .LBB1_5-.Ltmp2, $1  }
0x2c: {  	_ =	sdelay $0x3  }
0x2d: {  	s12 =	simm.s32 $0x1  }
0x2e: {  	_ =	swait.ge [sflag:s5], $0x2000;
	s12 =	simm.s32 @!p0 $0x0  }
0x2f: {  	[sflag:s5] =	ssyncset.done $0x0;
	s13 =	sshll.u32 s12, $0xD  }
0x30: {  	[sflag:s5] =	ssyncadd.s32 $0xFFFFE000;
	s16 =	sor.u32 $0x20, s13  }
0x31: {  	s12 =	smul.u32 $0x8100, s12;
	v3 =	vld [tilespmem:s16+$0x10]  }
0x32: {  	s30 =	sand.u32 $0x1, s10;
	v2 =	vld [tilespmem:s16+$0xFFFFFFF0]  }
0x33: {  	s13 =	smul.u32 $0x8100, s30;
	s12 =	sshrl.u32 s12, $0x2;
	v0 =	vld [tilespmem:s16+$0x0]  }
0x34: {  	v1 =	vld [tilespmem:s16+$0xFFFFFFE0];
	s14 =	sor.u32 $0x4000, s12  }
0x35: {  	s31 =	sshrl.u32 s13, $0x2;
	s13 =	sadd.s32 $0x0, s14  }
0x36: {  	s15 =	simm.s32 $0x4;
	s16 =	sadd.s32 $0x40, s16;
	s12 =	sor.u32 $0x4000, s31;
	[tilespmem:s13+$0x1830 ss:$0x81] =	vst.msk $0xffff, v3  }
.LBB1_3:
0x37: {  	v3 =	vld [tilespmem:s16+$0x10];
	p1 =	sne.s32 s15, $0x1FC;
	[tilespmem:s13+$0x810 ss:$0x81] =	vst.msk $0xffff, v2;
	s17 =	smov.u32 s15;
	s15 =	sadd.s32 $0x4, s15  }
.Ltmp3:
0x38: {  	v2 =	vld [tilespmem:s16+$0xFFFFFFF0];
	[tilespmem:s13+$0x1020 ss:$0x81] =	vst.msk $0xffff, v0;
	(pc) =	sbr.rel @p1 .LBB1_3-.Ltmp3, $4  }
0x39: {  	v0 =	vld [tilespmem:s16+$0x0];
	[tilespmem:s13+$0x0 ss:$0x81] =	vst.msk $0xffff, v1  }
0x3a: {  	s13 =	sshra.s32 s17, $0x2;
	v1 =	vld [tilespmem:s16+$0xFFFFFFE0]  }
0x3b: {  	s13 =	sadd.s32 s13, s14  }
0x3c: {  	s16 =	sadd.s32 $0x40, s16;
	[tilespmem:s13+$0x1830 ss:$0x81] =	vst.msk $0xffff, v3  }
.Ltmp4:
0x3d: {  	_ = 	snop;
	(pc) =	sbr.rel .LBB1_4-.Ltmp4, $1  }
0x3e: {  	_ =	sdelay $0x3  }
.LBB1_6:
0x3f: {  	_ =	sfence.sel $0x180000  }
0x40: {  	s2 =	simm.s32 $0x1;
	[bflag:$0x0] =	sbarrier.arrive $0xFFFF  }
0x41: {  	s31 =	simm.s32 $0x2;
	[sflag:s2] =	ssyncpa.u1 $0x1  }
0x42: {  	[sflag:s31] =	ssyncpa.u1 $0x1  }
0x43: {  	p0 =	sne.s32 s0, $0x0;
	_ =	strace $0x9000004A  }
0x44: {  	s0 =	sadd.s32 @!p0 $0x100000, s1;
	[bflag:$0x2] =	sbarrier.arrive $0xFFFF  }
0x45: {  	[sflag:s0] =	ssyncadd.tile.s32 @!p0 $0x1;
	_ =	shalt  }
.Lfunc_end1:
_tile_overlayer_lowered:
.L_overlay_start_2:
0x46: {  	(tag) =	ssettag $0x2  }
0x47: {  	s0 =	rddreg [dreg:$0x0];
	s2 =	stileid.u32  }
0x48: {  	s1 =	rddreg [dreg:$0x1];
	p0 =	sne.s32 s2, $0x0  }
0x49: {  	s3 =	rddreg [dreg:$0x2];
	[bflag:$0x3] =	sbarrier.arrive $0xFFFF;
	s2 =	simm.s32 @!p0 $0x1C01  }
0x4a: {  	[timem:s3], [sflag:s2] =	dma.local @!p0 [hbm:s0], s1  }
0x4b: {  	s0 =	simm.s32 @!p0 $0x1  }
0x4c: {  	_ =	swait.ge @!p0 [sflag:s0], s1  }
0x4d: {  	s1 =	ssub.s32 @!p0 $0x0, s1;
	[sflag:s0] =	ssyncset.done @!p0 $0x0  }
0x4e: {  	[sflag:s0] =	ssyncadd.s32 @!p0 s1  }
0x4f: {  	[bflag:$0x3] =	sbarrier.arrive $0xFFFF  }
0x50: {  	_ =	shalt  }

</sc_bundles>
